<compile_context>
chip_gen: v7x
topology: tpu7x:2x2x1
jax: 0.10.2.dev20260603
libtpu: 0.0.44.dev20260713+nightly
codegen_flags: <defaults>
</compile_context>

<pallas_src>
import functools

import jax
import jax.numpy as jnp
from jax import lax
from jax.experimental import pallas as pl
from jax.experimental.pallas import tpu as pltpu
from jax.experimental.pallas import tpu_sc as plsc

NUM_ROWS = 1_000_000
B = 16384 * 200
LANE = 128
NW = 32
ROWS128 = B // LANE
ROWS_PER_W = ROWS128 // NW
K = 160
NCHUNK = ROWS_PER_W // K

S1_CH = 8192
S1_NCHUNKS = -(-NUM_ROWS // S1_CH)
S1_PER_W = -(-S1_NCHUNKS // NW)

_MESH = plsc.VectorSubcoreMesh(core_axis_name="c", subcore_axis_name="s")


@functools.partial(
    pl.kernel,
    out_type=jax.ShapeDtypeStruct((NUM_ROWS,), jnp.float32),
    mesh=_MESH,
    scratch_types=[
        pltpu.VMEM((2, S1_CH), jnp.float32),
        pltpu.VMEM((2, S1_CH), jnp.float32),
        pltpu.VMEM((2, S1_CH), jnp.float32),
        pltpu.SemaphoreType.DMA,
        pltpu.SemaphoreType.DMA,
        pltpu.SemaphoreType.DMA,
    ],
    compiler_params=pltpu.CompilerParams(use_tc_tiling_on_sc=False),
)
def _softmax_table(tt, qs, abuf, bbuf, pbuf, semi, semo0, semo1):
    wid = lax.axis_index("s") * 2 + lax.axis_index("c")
    semo = (semo0, semo1)

    def chunk_start(t):
        cid = jnp.minimum(wid + NW * t, S1_NCHUNKS - 1)
        return jnp.minimum(cid * S1_CH, NUM_ROWS - S1_CH)

    def load_start(t, s):
        start = chunk_start(t)
        pltpu.make_async_copy(tt.at[0, pl.ds(start, S1_CH)], abuf.at[s], semi).start()
        pltpu.make_async_copy(tt.at[1, pl.ds(start, S1_CH)], bbuf.at[s], semi).start()

    def load_wait(t, s):
        start = chunk_start(t)
        pltpu.make_async_copy(tt.at[0, pl.ds(start, S1_CH)], abuf.at[s], semi).wait()
        pltpu.make_async_copy(tt.at[1, pl.ds(start, S1_CH)], bbuf.at[s], semi).wait()

    def compute(s):
        def grp(g, c2):
            a = abuf[s, pl.ds(g * 16, 16)]
            b = bbuf[s, pl.ds(g * 16, 16)]
            pbuf[s, pl.ds(g * 16, 16)] = 1.0 / (1.0 + jnp.exp(b - a))
            return c2
        lax.fori_loop(0, S1_CH // 16, grp, 0)

    def store_start(t, s):
        pltpu.make_async_copy(pbuf.at[s], qs.at[pl.ds(chunk_start(t), S1_CH)],
                              semo[s]).start()

    def store_wait(t, s):
        pltpu.make_async_copy(pbuf.at[s], qs.at[pl.ds(chunk_start(t), S1_CH)],
                              semo[s]).wait()

    load_start(0, 0)
    for t in range(S1_PER_W):
        s = t & 1
        if t + 1 < S1_PER_W:
            load_start(t + 1, 1 - s)
        load_wait(t, s)
        if t >= 2:
            store_wait(t - 2, s)
        compute(s)
        store_start(t, s)
    store_wait(S1_PER_W - 2, S1_PER_W & 1)
    store_wait(S1_PER_W - 1, (S1_PER_W - 1) & 1)


@functools.partial(
    pl.kernel,
    out_type=jax.ShapeDtypeStruct((ROWS128, 2, LANE), jnp.float32),
    mesh=_MESH,
    scratch_types=[
        pltpu.VMEM((2, K, LANE), jnp.int32),
        pltpu.VMEM((K, LANE), jnp.float32),
        pltpu.VMEM((K, LANE), jnp.float32),
        pltpu.VMEM((K, LANE), jnp.float32),
        pltpu.VMEM((K, LANE), jnp.float32),
        pltpu.SemaphoreType.DMA,
        pltpu.SemaphoreType.DMA,
        pltpu.SemaphoreType.DMA,
    ],
)
def _gather_rows(xr, qs, out, idx_v, va0, vb0, va1, vb1, semg, semo0, semo1):
    wid = lax.axis_index("s") * 2 + lax.axis_index("c")
    w0 = wid * ROWS_PER_W
    va = (va0, va1)
    vb = (vb0, vb1)
    semo = (semo0, semo1)

    def fire(c, s):
        def body(j, c2):
            pltpu.make_async_copy(qs.at[idx_v.at[s, j]], va[s].at[j], semg).start()
            return c2
        lax.fori_loop(0, K, body, 0)

    def drain(c, s):
        def body(j, c2):
            pltpu.make_async_copy(qs.at[idx_v.at[s, j]], va[s].at[j], semg).wait()
            return c2
        lax.fori_loop(0, K, body, 0)

    def flip(s):
        def body(t, c2):
            j = t >> 3
            col = (t & 7) * 16
            vb[s][j, pl.ds(col, 16)] = 1.0 - va[s][j, pl.ds(col, 16)]
            return c2
        lax.fori_loop(0, K * (LANE // 16), body, 0)

    def out_start(c, s):
        base = w0 + c * K
        pltpu.make_async_copy(va[s], out.at[pl.ds(base, K), 0], semo[s]).start()
        pltpu.make_async_copy(vb[s], out.at[pl.ds(base, K), 1], semo[s]).start()

    def out_wait(c, s):
        base = w0 + c * K
        pltpu.make_async_copy(va[s], out.at[pl.ds(base, K), 0], semo[s]).wait()
        pltpu.make_async_copy(vb[s], out.at[pl.ds(base, K), 1], semo[s]).wait()

    pltpu.sync_copy(xr.at[pl.ds(w0, K)], idx_v.at[0])
    fire(0, 0)
    for c in range(NCHUNK):
        s = c & 1
        drain(c, s)
        if c + 1 < NCHUNK:
            pltpu.sync_copy(xr.at[pl.ds(w0 + (c + 1) * K, K)], idx_v.at[1 - s])
            if c >= 1:
                out_wait(c - 1, 1 - s)
            fire(c + 1, 1 - s)
        flip(s)
        out_start(c, s)
    out_wait(NCHUNK - 2, NCHUNK & 1)
    out_wait(NCHUNK - 1, (NCHUNK - 1) & 1)


def kernel(x, table):
    tt = table.T
    qs = _softmax_table(tt)
    xr = x.reshape(ROWS128, LANE)
    ob = _gather_rows(xr, qs)
    return ob.transpose(0, 2, 1).reshape(B, 2)

# --- scband reference (transcript-rebuilt; emitter-appended) ---
"""Pipeline reference for scband-rule-weights-34978213658861 (READ-ONLY COPY).

The authoritative reference and input builder live on the scoring server;
editing this copy changes nothing except your own understanding.
"""

import jax, jax.numpy as jnp
import numpy as np

NUM_CLASSES = 1000000
EMBED_DIM = 2


def setup_inputs(seed: int = 0) -> dict:
    key = jax.random.key(seed)
    k1, k2 = jax.random.split(key)
    x = jax.random.randint(k1, (16384, 200), 0, NUM_CLASSES, dtype=jnp.int32)
    table = jax.random.normal(k2, (NUM_CLASSES, EMBED_DIM), dtype=jnp.float32)
    return {"x": x, "table": table}


def reference(x, table):
    # forward: x.view(-1) -> Embedding -> Softmax(-1)
    idx = x.reshape(-1)
    emb = jnp.take(table, idx, axis=0)
    out = jax.nn.softmax(emb, axis=-1)
    return out

if __name__ == "__main__":
    import jax
    _d = setup_inputs()
    print(jax.jit(kernel)(*tuple(_d.values())))

</pallas_src>

<mosaic_0001>
#map = affine_map<(d0, d1) -> (0, 0)>
#map1 = affine_map<(d0, d1) -> (0)>
module attributes {stable_mosaic.version = 14 : i64} {
  func.func @_softmax_table(%arg0: i32, %arg1: i32, %arg2: memref<2x1000000xf32, #tpu.memory_space<hbm>>, %arg3: memref<1000000xf32, #tpu.memory_space<hbm>>, %arg4: memref<2x8192xf32, #tpu.memory_space<vmem>>, %arg5: memref<2x8192xf32, #tpu.memory_space<vmem>>, %arg6: memref<2x8192xf32, #tpu.memory_space<vmem>>, %arg7: memref<!tpu.dma_semaphore, #tpu.memory_space<semaphore_mem>>, %arg8: memref<!tpu.dma_semaphore, #tpu.memory_space<semaphore_mem>>, %arg9: memref<!tpu.dma_semaphore, #tpu.memory_space<semaphore_mem>>) attributes {dimension_semantics = [#tpu.dimension_semantics<core_parallel>, #tpu.dimension_semantics<subcore_parallel>], iteration_bounds = array<i64: 2, 16>, scalar_prefetch = 0 : i64, scratch_operands = 6 : i64, tpu.core_type = #tpu.core_type<sc_vector_subcore>, window_params = [{transform_indices = #map}, {transform_indices = #map1}]} {
    %mul3A = arith.constant 2 : i32
    %mul3A_0 = arith.muli %arg1, %mul3A : i32
    %add3A = arith.addi %mul3A_0, %arg0 : i32
    %add3A_1 = arith.constant 0 : i32
    %add3A_2 = arith.addi %add3A, %add3A_1 : i32
    %min3A = arith.constant 122 : i32
    %min3A_3 = arith.minsi %add3A_2, %min3A : i32
    %mul3A_4 = arith.constant 8192 : i32
    %mul3A_5 = arith.muli %min3A_3, %mul3A_4 : i32
    %min3A_6 = arith.constant 991808 : i32
    %min3A_7 = arith.minsi %mul3A_5, %min3A_6 : i32
    %dma_start3A = arith.constant 0 : i32
    %dma_start3A_8 = arith.constant 0 : i32
    %dma_start3A_9 = arith.constant 0 : i32
    %dma_start3A_10 = tpu.memref_slice %arg4[%dma_start3A_8, %dma_start3A_9] : memref<2x8192xf32, #tpu.memory_space<vmem>> -> memref<1x8192xf32, #tpu.memory_space<vmem>>
    %dma_start3A_11 = tpu.memref_squeeze %dma_start3A_10 : memref<1x8192xf32, #tpu.memory_space<vmem>> -> memref<8192xf32, #tpu.memory_space<vmem>>
    %dma_start3A_12 = tpu.memref_slice %arg2[%dma_start3A, %min3A_7] : memref<2x1000000xf32, #tpu.memory_space<hbm>> -> memref<1x8192xf32, #tpu.memory_space<hbm>>
    %dma_start3A_13 = tpu.memref_squeeze %dma_start3A_12 : memref<1x8192xf32, #tpu.memory_space<hbm>> -> memref<8192xf32, #tpu.memory_space<hbm>>
    %dma_start3A_14 = arith.constant 0 : i32
    %dma_start3A_15 = tpu.memref_slice %arg4[%dma_start3A_8, %dma_start3A_14] : memref<2x8192xf32, #tpu.memory_space<vmem>> -> memref<1x8192xf32, #tpu.memory_space<vmem>>
    %dma_start3A_16 = tpu.memref_squeeze %dma_start3A_15 : memref<1x8192xf32, #tpu.memory_space<vmem>> -> memref<8192xf32, #tpu.memory_space<vmem>>
    %dma_start3A_17 = tpu.memref_slice %arg2[%dma_start3A, %min3A_7] : memref<2x1000000xf32, #tpu.memory_space<hbm>> -> memref<1x8192xf32, #tpu.memory_space<hbm>>
    %dma_start3A_18 = tpu.memref_squeeze %dma_start3A_17 : memref<1x8192xf32, #tpu.memory_space<hbm>> -> memref<8192xf32, #tpu.memory_space<hbm>>
    tpu.enqueue_dma source(%dma_start3A_18 : memref<8192xf32, #tpu.memory_space<hbm>>) target(%dma_start3A_16 : memref<8192xf32, #tpu.memory_space<vmem>>) target_semaphore(%arg7 : memref<!tpu.dma_semaphore, #tpu.memory_space<semaphore_mem>>)
    %dma_start3A_19 = arith.constant 1 : i32
    %dma_start3A_20 = arith.constant 0 : i32
    %dma_start3A_21 = arith.constant 0 : i32
    %dma_start3A_22 = tpu.memref_slice %arg5[%dma_start3A_20, %dma_start3A_21] : memref<2x8192xf32, #tpu.memory_space<vmem>> -> memref<1x8192xf32, #tpu.memory_space<vmem>>
    %dma_start3A_23 = tpu.memref_squeeze %dma_start3A_22 : memref<1x8192xf32, #tpu.memory_space<vmem>> -> memref<8192xf32, #tpu.memory_space<vmem>>
    %dma_start3A_24 = tpu.memref_slice %arg2[%dma_start3A_19, %min3A_7] : memref<2x1000000xf32, #tpu.memory_space<hbm>> -> memref<1x8192xf32, #tpu.memory_space<hbm>>
    %dma_start3A_25 = tpu.memref_squeeze %dma_start3A_24 : memref<1x8192xf32, #tpu.memory_space<hbm>> -> memref<8192xf32, #tpu.memory_space<hbm>>
    %dma_start3A_26 = arith.constant 0 : i32
    %dma_start3A_27 = tpu.memref_slice %arg5[%dma_start3A_20, %dma_start3A_26] : memref<2x8192xf32, #tpu.memory_space<vmem>> -> memref<1x8192xf32, #tpu.memory_space<vmem>>
    %dma_start3A_28 = tpu.memref_squeeze %dma_start3A_27 : memref<1x8192xf32, #tpu.memory_space<vmem>> -> memref<8192xf32, #tpu.memory_space<vmem>>
    %dma_start3A_29 = tpu.memref_slice %arg2[%dma_start3A_19, %min3A_7] : memref<2x1000000xf32, #tpu.memory_space<hbm>> -> memref<1x8192xf32, #tpu.memory_space<hbm>>
    %dma_start3A_30 = tpu.memref_squeeze %dma_start3A_29 : memref<1x8192xf32, #tpu.memory_space<hbm>> -> memref<8192xf32, #tpu.memory_space<hbm>>
    tpu.enqueue_dma source(%dma_start3A_30 : memref<8192xf32, #tpu.memory_space<hbm>>) target(%dma_start3A_28 : memref<8192xf32, #tpu.memory_space<vmem>>) target_semaphore(%arg7 : memref<!tpu.dma_semaphore, #tpu.memory_space<semaphore_mem>>)
    %add3A_31 = arith.constant 32 : i32
    %add3A_32 = arith.addi %add3A, %add3A_31 : i32
    %min3A_33 = arith.constant 122 : i32
    %min3A_34 = arith.minsi %add3A_32, %min3A_33 : i32
    %mul3A_35 = arith.constant 8192 : i32
    %mul3A_36 = arith.muli %min3A_34, %mul3A_35 : i32
    %min3A_37 = arith.constant 991808 : i32
    %min3A_38 = arith.minsi %mul3A_36, %min3A_37 : i32
    %dma_start3A_39 = arith.constant 0 : i32
    %dma_start3A_40 = arith.constant 1 : i32
    %dma_start3A_41 = arith.constant 0 : i32
    %dma_start3A_42 = tpu.memref_slice %arg4[%dma_start3A_40, %dma_start3A_41] : memref<2x8192xf32, #tpu.memory_space<vmem>> -> memref<1x8192xf32, #tpu.memory_space<vmem>>
    %dma_start3A_43 = tpu.memref_squeeze %dma_start3A_42 : memref<1x8192xf32, #tpu.memory_space<vmem>> -> memref<8192xf32, #tpu.memory_space<vmem>>
    %dma_start3A_44 = tpu.memref_slice %arg2[%dma_start3A_39, %min3A_38] : memref<2x1000000xf32, #tpu.memory_space<hbm>> -> memref<1x8192xf32, #tpu.memory_space<hbm>>
    %dma_start3A_45 = tpu.memref_squeeze %dma_start3A_44 : memref<1x8192xf32, #tpu.memory_space<hbm>> -> memref<8192xf32, #tpu.memory_space<hbm>>
    %dma_start3A_46 = arith.constant 0 : i32
    %dma_start3A_47 = tpu.memref_slice %arg4[%dma_start3A_40, %dma_start3A_46] : memref<2x8192xf32, #tpu.memory_space<vmem>> -> memref<1x8192xf32, #tpu.memory_space<vmem>>
    %dma_start3A_48 = tpu.memref_squeeze %dma_start3A_47 : memref<1x8192xf32, #tpu.memory_space<vmem>> -> memref<8192xf32, #tpu.memory_space<vmem>>
    %dma_start3A_49 = tpu.memref_slice %arg2[%dma_start3A_39, %min3A_38] : memref<2x1000000xf32, #tpu.memory_space<hbm>> -> memref<1x8192xf32, #tpu.memory_space<hbm>>
    %dma_start3A_50 = tpu.memref_squeeze %dma_start3A_49 : memref<1x8192xf32, #tpu.memory_space<hbm>> -> memref<8192xf32, #tpu.memory_space<hbm>>
    tpu.enqueue_dma source(%dma_start3A_50 : memref<8192xf32, #tpu.memory_space<hbm>>) target(%dma_start3A_48 : memref<8192xf32, #tpu.memory_space<vmem>>) target_semaphore(%arg7 : memref<!tpu.dma_semaphore, #tpu.memory_space<semaphore_mem>>)
    %dma_start3A_51 = arith.constant 1 : i32
    %dma_start3A_52 = arith.constant 1 : i32
    %dma_start3A_53 = arith.constant 0 : i32
    %dma_start3A_54 = tpu.memref_slice %arg5[%dma_start3A_52, %dma_start3A_53] : memref<2x8192xf32, #tpu.memory_space<vmem>> -> memref<1x8192xf32, #tpu.memory_space<vmem>>
    %dma_start3A_55 = tpu.memref_squeeze %dma_start3A_54 : memref<1x8192xf32, #tpu.memory_space<vmem>> -> memref<8192xf32, #tpu.memory_space<vmem>>
    %dma_start3A_56 = tpu.memref_slice %arg2[%dma_start3A_51, %min3A_38] : memref<2x1000000xf32, #tpu.memory_space<hbm>> -> memref<1x8192xf32, #tpu.memory_space<hbm>>
    %dma_start3A_57 = tpu.memref_squeeze %dma_start3A_56 : memref<1x8192xf32, #tpu.memory_space<hbm>> -> memref<8192xf32, #tpu.memory_space<hbm>>
    %dma_start3A_58 = arith.constant 0 : i32
    %dma_start3A_59 = tpu.memref_slice %arg5[%dma_start3A_52, %dma_start3A_58] : memref<2x8192xf32, #tpu.memory_space<vmem>> -> memref<1x8192xf32, #tpu.memory_space<vmem>>
    %dma_start3A_60 = tpu.memref_squeeze %dma_start3A_59 : memref<1x8192xf32, #tpu.memory_space<vmem>> -> memref<8192xf32, #tpu.memory_space<vmem>>
    %dma_start3A_61 = tpu.memref_slice %arg2[%dma_start3A_51, %min3A_38] : memref<2x1000000xf32, #tpu.memory_space<hbm>> -> memref<1x8192xf32, #tpu.memory_space<hbm>>
    %dma_start3A_62 = tpu.memref_squeeze %dma_start3A_61 : memref<1x8192xf32, #tpu.memory_space<hbm>> -> memref<8192xf32, #tpu.memory_space<hbm>>
    tpu.enqueue_dma source(%dma_start3A_62 : memref<8192xf32, #tpu.memory_space<hbm>>) target(%dma_start3A_60 : memref<8192xf32, #tpu.memory_space<vmem>>) target_semaphore(%arg7 : memref<!tpu.dma_semaphore, #tpu.memory_space<semaphore_mem>>)
    %add3A_63 = arith.constant 0 : i32
    %add3A_64 = arith.addi %add3A, %add3A_63 : i32
    %min3A_65 = arith.constant 122 : i32
    %min3A_66 = arith.minsi %add3A_64, %min3A_65 : i32
    %mul3A_67 = arith.constant 8192 : i32
    %mul3A_68 = arith.muli %min3A_66, %mul3A_67 : i32
    %min3A_69 = arith.constant 991808 : i32
    %min3A_70 = arith.minsi %mul3A_68, %min3A_69 : i32
    %dma_wait3A = arith.constant 0 : i32
    %dma_wait3A_71 = arith.constant 0 : i32
    %dma_wait3A_72 = arith.constant 0 : i32
    %dma_wait3A_73 = tpu.memref_slice %arg4[%dma_wait3A_71, %dma_wait3A_72] : memref<2x8192xf32, #tpu.memory_space<vmem>> -> memref<1x8192xf32, #tpu.memory_space<vmem>>
    %dma_wait3A_74 = tpu.memref_squeeze %dma_wait3A_73 : memref<1x8192xf32, #tpu.memory_space<vmem>> -> memref<8192xf32, #tpu.memory_space<vmem>>
    %dma_wait3A_75 = tpu.memref_slice %arg2[%dma_wait3A, %min3A_70] : memref<2x1000000xf32, #tpu.memory_space<hbm>> -> memref<1x8192xf32, #tpu.memory_space<hbm>>
    %dma_wait3A_76 = tpu.memref_squeeze %dma_wait3A_75 : memref<1x8192xf32, #tpu.memory_space<hbm>> -> memref<8192xf32, #tpu.memory_space<hbm>>
    %dma_wait3A_77 = arith.constant 0 : i32
    %dma_wait3A_78 = tpu.memref_slice %arg4[%dma_wait3A_71, %dma_wait3A_77] : memref<2x8192xf32, #tpu.memory_space<vmem>> -> memref<1x8192xf32, #tpu.memory_space<vmem>>
    %dma_wait3A_79 = tpu.memref_squeeze %dma_wait3A_78 : memref<1x8192xf32, #tpu.memory_space<vmem>> -> memref<8192xf32, #tpu.memory_space<vmem>>
    %dma_wait3A_80 = tpu.memref_slice %arg2[%dma_wait3A, %min3A_70] : memref<2x1000000xf32, #tpu.memory_space<hbm>> -> memref<1x8192xf32, #tpu.memory_space<hbm>>
    %dma_wait3A_81 = tpu.memref_squeeze %dma_wait3A_80 : memref<1x8192xf32, #tpu.memory_space<hbm>> -> memref<8192xf32, #tpu.memory_space<hbm>>
    tpu.wait_dma2 semaphore(%arg7 : memref<!tpu.dma_semaphore, #tpu.memory_space<semaphore_mem>>) src(%dma_wait3A_81 : memref<8192xf32, #tpu.memory_space<hbm>>) dst(%dma_wait3A_79 : memref<8192xf32, #tpu.memory_space<vmem>>)
    %dma_wait3A_82 = arith.constant 1 : i32
    %dma_wait3A_83 = arith.constant 0 : i32
    %dma_wait3A_84 = arith.constant 0 : i32
    %dma_wait3A_85 = tpu.memref_slice %arg5[%dma_wait3A_83, %dma_wait3A_84] : memref<2x8192xf32, #tpu.memory_space<vmem>> -> memref<1x8192xf32, #tpu.memory_space<vmem>>
    %dma_wait3A_86 = tpu.memref_squeeze %dma_wait3A_85 : memref<1x8192xf32, #tpu.memory_space<vmem>> -> memref<8192xf32, #tpu.memory_space<vmem>>
    %dma_wait3A_87 = tpu.memref_slice %arg2[%dma_wait3A_82, %min3A_70] : memref<2x1000000xf32, #tpu.memory_space<hbm>> -> memref<1x8192xf32, #tpu.memory_space<hbm>>
    %dma_wait3A_88 = tpu.memref_squeeze %dma_wait3A_87 : memref<1x8192xf32, #tpu.memory_space<hbm>> -> memref<8192xf32, #tpu.memory_space<hbm>>
    %dma_wait3A_89 = arith.constant 0 : i32
    %dma_wait3A_90 = tpu.memref_slice %arg5[%dma_wait3A_83, %dma_wait3A_89] : memref<2x8192xf32, #tpu.memory_space<vmem>> -> memref<1x8192xf32, #tpu.memory_space<vmem>>
    %dma_wait3A_91 = tpu.memref_squeeze %dma_wait3A_90 : memref<1x8192xf32, #tpu.memory_space<vmem>> -> memref<8192xf32, #tpu.memory_space<vmem>>
    %dma_wait3A_92 = tpu.memref_slice %arg2[%dma_wait3A_82, %min3A_70] : memref<2x1000000xf32, #tpu.memory_space<hbm>> -> memref<1x8192xf32, #tpu.memory_space<hbm>>
    %dma_wait3A_93 = tpu.memref_squeeze %dma_wait3A_92 : memref<1x8192xf32, #tpu.memory_space<hbm>> -> memref<8192xf32, #tpu.memory_space<hbm>>
    tpu.wait_dma2 semaphore(%arg7 : memref<!tpu.dma_semaphore, #tpu.memory_space<semaphore_mem>>) src(%dma_wait3A_93 : memref<8192xf32, #tpu.memory_space<hbm>>) dst(%dma_wait3A_91 : memref<8192xf32, #tpu.memory_space<vmem>>)
    %scan3A = arith.constant 0 : i32
    %scan3A_94 = arith.constant 0 : i32
    %scan3A_95 = arith.constant 512 : i32
    %scan3A_96 = arith.addi %scan3A_94, %scan3A_95 : i32
    %scan3A_97 = arith.constant 1 : i32
    scf.for %scan3A_413 = %scan3A_94 to %scan3A_96 step %scan3A_97  : i32 {
      %mul3A_414 = arith.constant 16 : i32
      %mul3A_415 = arith.muli %scan3A_413, %mul3A_414 : i32
      %get3A = arith.constant 0 : i32
      %get3A_416 = arith.index_cast %get3A : i32 to index
      %get3A_417 = arith.index_cast %mul3A_415 : i32 to index
      %get3A_418 = tpu.vector_load %arg4[%get3A_416, %get3A_417] {strides = array<i32>} : memref<2x8192xf32, #tpu.memory_space<vmem>>, vector<1x16xf32>,
      %get3A_419 = vector.shape_cast %get3A_418 : vector<1x16xf32> to vector<16xf32>
      %mul3A_420 = arith.constant 16 : i32
      %mul3A_421 = arith.muli %scan3A_413, %mul3A_420 : i32
      %get3A_422 = arith.constant 0 : i32
      %get3A_423 = arith.index_cast %get3A_422 : i32 to index
      %get3A_424 = arith.index_cast %mul3A_421 : i32 to index
      %get3A_425 = tpu.vector_load %arg5[%get3A_423, %get3A_424] {strides = array<i32>} : memref<2x8192xf32, #tpu.memory_space<vmem>>, vector<1x16xf32>,
      %get3A_426 = vector.shape_cast %get3A_425 : vector<1x16xf32> to vector<16xf32>
      %sub3A = arith.subf %get3A_426, %get3A_419 : vector<16xf32>
      %exp3A = math.exp %sub3A : vector<16xf32>
      %add3A_427 = arith.constant 1.000000e+00 : f32
      %add3A_428 = vector.broadcast %add3A_427 : f32 to vector<16xf32>
      %add3A_429 = arith.addf %add3A_428, %exp3A : vector<16xf32>
      %div3A = arith.constant 1.000000e+00 : f32
      %div3A_430 = vector.broadcast %div3A : f32 to vector<16xf32>
      %div3A_431 = arith.divf %div3A_430, %add3A_429 : vector<16xf32>
      %mul3A_432 = arith.constant 16 : i32
      %mul3A_433 = arith.muli %scan3A_413, %mul3A_432 : i32
      %swap3A = arith.constant 0 : i32
      %swap3A_434 = arith.index_cast %swap3A : i32 to index
      %swap3A_435 = arith.index_cast %mul3A_433 : i32 to index
      %swap3A_436 = tpu.vector_load %arg6[%swap3A_434, %swap3A_435] {strides = array<i32>} : memref<2x8192xf32, #tpu.memory_space<vmem>>, vector<1x16xf32>,
      %swap3A_437 = vector.shape_cast %swap3A_436 : vector<1x16xf32> to vector<16xf32>
      %swap3A_438 = vector.shape_cast %div3A_431 : vector<16xf32> to vector<1x16xf32>
      tpu.vector_store %arg6[%swap3A_434, %swap3A_435], %swap3A_438 {strides = array<i32>} : memref<2x8192xf32, #tpu.memory_space<vmem>>, vector<1x16xf32>,
    }
    %scan3A_98 = arith.constant 512 : i32
    %add3A_99 = arith.constant 0 : i32
    %add3A_100 = arith.addi %add3A, %add3A_99 : i32
    %min3A_101 = arith.constant 122 : i32
    %min3A_102 = arith.minsi %add3A_100, %min3A_101 : i32
    %mul3A_103 = arith.constant 8192 : i32
    %mul3A_104 = arith.muli %min3A_102, %mul3A_103 : i32
    %min3A_105 = arith.constant 991808 : i32
    %min3A_106 = arith.minsi %mul3A_104, %min3A_105 : i32
    %dma_start3A_107 = arith.constant 0 : i32
    %dma_start3A_108 = arith.constant 0 : i32
    %dma_start3A_109 = tpu.memref_slice %arg6[%dma_start3A_107, %dma_start3A_108] : memref<2x8192xf32, #tpu.memory_space<vmem>> -> memref<1x8192xf32, #tpu.memory_space<vmem>>
    %dma_start3A_110 = tpu.memref_squeeze %dma_start3A_109 : memref<1x8192xf32, #tpu.memory_space<vmem>> -> memref<8192xf32, #tpu.memory_space<vmem>>
    %dma_start3A_111 = tpu.memref_slice %arg3[%min3A_106] : memref<1000000xf32, #tpu.memory_space<hbm>> -> memref<8192xf32, #tpu.memory_space<hbm>>
    %dma_start3A_112 = tpu.memref_slice %arg3[%min3A_106] : memref<1000000xf32, #tpu.memory_space<hbm>> -> memref<8192xf32, #tpu.memory_space<hbm>>
    %dma_start3A_113 = arith.constant 0 : i32
    %dma_start3A_114 = tpu.memref_slice %arg6[%dma_start3A_107, %dma_start3A_113] : memref<2x8192xf32, #tpu.memory_space<vmem>> -> memref<1x8192xf32, #tpu.memory_space<vmem>>
    %dma_start3A_115 = tpu.memref_squeeze %dma_start3A_114 : memref<1x8192xf32, #tpu.memory_space<vmem>> -> memref<8192xf32, #tpu.memory_space<vmem>>
    tpu.enqueue_dma source(%dma_start3A_115 : memref<8192xf32, #tpu.memory_space<vmem>>) target(%dma_start3A_112 : memref<8192xf32, #tpu.memory_space<hbm>>) target_semaphore(%arg8 : memref<!tpu.dma_semaphore, #tpu.memory_space<semaphore_mem>>)
    %add3A_116 = arith.constant 64 : i32
    %add3A_117 = arith.addi %add3A, %add3A_116 : i32
    %min3A_118 = arith.constant 122 : i32
    %min3A_119 = arith.minsi %add3A_117, %min3A_118 : i32
    %mul3A_120 = arith.constant 8192 : i32
    %mul3A_121 = arith.muli %min3A_119, %mul3A_120 : i32
    %min3A_122 = arith.constant 991808 : i32
    %min3A_123 = arith.minsi %mul3A_121, %min3A_122 : i32
    %dma_start3A_124 = arith.constant 0 : i32
    %dma_start3A_125 = arith.constant 0 : i32
    %dma_start3A_126 = arith.constant 0 : i32
    %dma_start3A_127 = tpu.memref_slice %arg4[%dma_start3A_125, %dma_start3A_126] : memref<2x8192xf32, #tpu.memory_space<vmem>> -> memref<1x8192xf32, #tpu.memory_space<vmem>>
    %dma_start3A_128 = tpu.memref_squeeze %dma_start3A_127 : memref<1x8192xf32, #tpu.memory_space<vmem>> -> memref<8192xf32, #tpu.memory_space<vmem>>
    %dma_start3A_129 = tpu.memref_slice %arg2[%dma_start3A_124, %min3A_123] : memref<2x1000000xf32, #tpu.memory_space<hbm>> -> memref<1x8192xf32, #tpu.memory_space<hbm>>
    %dma_start3A_130 = tpu.memref_squeeze %dma_start3A_129 : memref<1x8192xf32, #tpu.memory_space<hbm>> -> memref<8192xf32, #tpu.memory_space<hbm>>
    %dma_start3A_131 = arith.constant 0 : i32
    %dma_start3A_132 = tpu.memref_slice %arg4[%dma_start3A_125, %dma_start3A_131] : memref<2x8192xf32, #tpu.memory_space<vmem>> -> memref<1x8192xf32, #tpu.memory_space<vmem>>
    %dma_start3A_133 = tpu.memref_squeeze %dma_start3A_132 : memref<1x8192xf32, #tpu.memory_space<vmem>> -> memref<8192xf32, #tpu.memory_space<vmem>>
    %dma_start3A_134 = tpu.memref_slice %arg2[%dma_start3A_124, %min3A_123] : memref<2x1000000xf32, #tpu.memory_space<hbm>> -> memref<1x8192xf32, #tpu.memory_space<hbm>>
    %dma_start3A_135 = tpu.memref_squeeze %dma_start3A_134 : memref<1x8192xf32, #tpu.memory_space<hbm>> -> memref<8192xf32, #tpu.memory_space<hbm>>
    tpu.enqueue_dma source(%dma_start3A_135 : memref<8192xf32, #tpu.memory_space<hbm>>) target(%dma_start3A_133 : memref<8192xf32, #tpu.memory_space<vmem>>) target_semaphore(%arg7 : memref<!tpu.dma_semaphore, #tpu.memory_space<semaphore_mem>>)
    %dma_start3A_136 = arith.constant 1 : i32
    %dma_start3A_137 = arith.constant 0 : i32
    %dma_start3A_138 = arith.constant 0 : i32
    %dma_start3A_139 = tpu.memref_slice %arg5[%dma_start3A_137, %dma_start3A_138] : memref<2x8192xf32, #tpu.memory_space<vmem>> -> memref<1x8192xf32, #tpu.memory_space<vmem>>
    %dma_start3A_140 = tpu.memref_squeeze %dma_start3A_139 : memref<1x8192xf32, #tpu.memory_space<vmem>> -> memref<8192xf32, #tpu.memory_space<vmem>>
    %dma_start3A_141 = tpu.memref_slice %arg2[%dma_start3A_136, %min3A_123] : memref<2x1000000xf32, #tpu.memory_space<hbm>> -> memref<1x8192xf32, #tpu.memory_space<hbm>>
    %dma_start3A_142 = tpu.memref_squeeze %dma_start3A_141 : memref<1x8192xf32, #tpu.memory_space<hbm>> -> memref<8192xf32, #tpu.memory_space<hbm>>
    %dma_start3A_143 = arith.constant 0 : i32
    %dma_start3A_144 = tpu.memref_slice %arg5[%dma_start3A_137, %dma_start3A_143] : memref<2x8192xf32, #tpu.memory_space<vmem>> -> memref<1x8192xf32, #tpu.memory_space<vmem>>
    %dma_start3A_145 = tpu.memref_squeeze %dma_start3A_144 : memref<1x8192xf32, #tpu.memory_space<vmem>> -> memref<8192xf32, #tpu.memory_space<vmem>>
    %dma_start3A_146 = tpu.memref_slice %arg2[%dma_start3A_136, %min3A_123] : memref<2x1000000xf32, #tpu.memory_space<hbm>> -> memref<1x8192xf32, #tpu.memory_space<hbm>>
    %dma_start3A_147 = tpu.memref_squeeze %dma_start3A_146 : memref<1x8192xf32, #tpu.memory_space<hbm>> -> memref<8192xf32, #tpu.memory_space<hbm>>
    tpu.enqueue_dma source(%dma_start3A_147 : memref<8192xf32, #tpu.memory_space<hbm>>) target(%dma_start3A_145 : memref<8192xf32, #tpu.memory_space<vmem>>) target_semaphore(%arg7 : memref<!tpu.dma_semaphore, #tpu.memory_space<semaphore_mem>>)
    %add3A_148 = arith.constant 32 : i32
    %add3A_149 = arith.addi %add3A, %add3A_148 : i32
    %min3A_150 = arith.constant 122 : i32
    %min3A_151 = arith.minsi %add3A_149, %min3A_150 : i32
    %mul3A_152 = arith.constant 8192 : i32
    %mul3A_153 = arith.muli %min3A_151, %mul3A_152 : i32
    %min3A_154 = arith.constant 991808 : i32
    %min3A_155 = arith.minsi %mul3A_153, %min3A_154 : i32
    %dma_wait3A_156 = arith.constant 0 : i32
    %dma_wait3A_157 = arith.constant 1 : i32
    %dma_wait3A_158 = arith.constant 0 : i32
    %dma_wait3A_159 = tpu.memref_slice %arg4[%dma_wait3A_157, %dma_wait3A_158] : memref<2x8192xf32, #tpu.memory_space<vmem>> -> memref<1x8192xf32, #tpu.memory_space<vmem>>
    %dma_wait3A_160 = tpu.memref_squeeze %dma_wait3A_159 : memref<1x8192xf32, #tpu.memory_space<vmem>> -> memref<8192xf32, #tpu.memory_space<vmem>>
    %dma_wait3A_161 = tpu.memref_slice %arg2[%dma_wait3A_156, %min3A_155] : memref<2x1000000xf32, #tpu.memory_space<hbm>> -> memref<1x8192xf32, #tpu.memory_space<hbm>>
    %dma_wait3A_162 = tpu.memref_squeeze %dma_wait3A_161 : memref<1x8192xf32, #tpu.memory_space<hbm>> -> memref<8192xf32, #tpu.memory_space<hbm>>
    %dma_wait3A_163 = arith.constant 0 : i32
    %dma_wait3A_164 = tpu.memref_slice %arg4[%dma_wait3A_157, %dma_wait3A_163] : memref<2x8192xf32, #tpu.memory_space<vmem>> -> memref<1x8192xf32, #tpu.memory_space<vmem>>
    %dma_wait3A_165 = tpu.memref_squeeze %dma_wait3A_164 : memref<1x8192xf32, #tpu.memory_space<vmem>> -> memref<8192xf32, #tpu.memory_space<vmem>>
    %dma_wait3A_166 = tpu.memref_slice %arg2[%dma_wait3A_156, %min3A_155] : memref<2x1000000xf32, #tpu.memory_space<hbm>> -> memref<1x8192xf32, #tpu.memory_space<hbm>>
    %dma_wait3A_167 = tpu.memref_squeeze %dma_wait3A_166 : memref<1x8192xf32, #tpu.memory_space<hbm>> -> memref<8192xf32, #tpu.memory_space<hbm>>
    tpu.wait_dma2 semaphore(%arg7 : memref<!tpu.dma_semaphore, #tpu.memory_space<semaphore_mem>>) src(%dma_wait3A_167 : memref<8192xf32, #tpu.memory_space<hbm>>) dst(%dma_wait3A_165 : memref<8192xf32, #tpu.memory_space<vmem>>)
    %dma_wait3A_168 = arith.constant 1 : i32
    %dma_wait3A_169 = arith.constant 1 : i32
    %dma_wait3A_170 = arith.constant 0 : i32
    %dma_wait3A_171 = tpu.memref_slice %arg5[%dma_wait3A_169, %dma_wait3A_170] : memref<2x8192xf32, #tpu.memory_space<vmem>> -> memref<1x8192xf32, #tpu.memory_space<vmem>>
    %dma_wait3A_172 = tpu.memref_squeeze %dma_wait3A_171 : memref<1x8192xf32, #tpu.memory_space<vmem>> -> memref<8192xf32, #tpu.memory_space<vmem>>
    %dma_wait3A_173 = tpu.memref_slice %arg2[%dma_wait3A_168, %min3A_155] : memref<2x1000000xf32, #tpu.memory_space<hbm>> -> memref<1x8192xf32, #tpu.memory_space<hbm>>
    %dma_wait3A_174 = tpu.memref_squeeze %dma_wait3A_173 : memref<1x8192xf32, #tpu.memory_space<hbm>> -> memref<8192xf32, #tpu.memory_space<hbm>>
    %dma_wait3A_175 = arith.constant 0 : i32
    %dma_wait3A_176 = tpu.memref_slice %arg5[%dma_wait3A_169, %dma_wait3A_175] : memref<2x8192xf32, #tpu.memory_space<vmem>> -> memref<1x8192xf32, #tpu.memory_space<vmem>>
    %dma_wait3A_177 = tpu.memref_squeeze %dma_wait3A_176 : memref<1x8192xf32, #tpu.memory_space<vmem>> -> memref<8192xf32, #tpu.memory_space<vmem>>
    %dma_wait3A_178 = tpu.memref_slice %arg2[%dma_wait3A_168, %min3A_155] : memref<2x1000000xf32, #tpu.memory_space<hbm>> -> memref<1x8192xf32, #tpu.memory_space<hbm>>
    %dma_wait3A_179 = tpu.memref_squeeze %dma_wait3A_178 : memref<1x8192xf32, #tpu.memory_space<hbm>> -> memref<8192xf32, #tpu.memory_space<hbm>>
    tpu.wait_dma2 semaphore(%arg7 : memref<!tpu.dma_semaphore, #tpu.memory_space<semaphore_mem>>) src(%dma_wait3A_179 : memref<8192xf32, #tpu.memory_space<hbm>>) dst(%dma_wait3A_177 : memref<8192xf32, #tpu.memory_space<vmem>>)
    %scan3A_180 = arith.constant 0 : i32
    %scan3A_181 = arith.constant 0 : i32
    %scan3A_182 = arith.constant 512 : i32
    %scan3A_183 = arith.addi %scan3A_181, %scan3A_182 : i32
    %scan3A_184 = arith.constant 1 : i32
    scf.for %scan3A_413 = %scan3A_181 to %scan3A_183 step %scan3A_184  : i32 {
      %mul3A_414 = arith.constant 16 : i32
      %mul3A_415 = arith.muli %scan3A_413, %mul3A_414 : i32
      %get3A = arith.constant 1 : i32
      %get3A_416 = arith.index_cast %get3A : i32 to index
      %get3A_417 = arith.index_cast %mul3A_415 : i32 to index
      %get3A_418 = tpu.vector_load %arg4[%get3A_416, %get3A_417] {strides = array<i32>} : memref<2x8192xf32, #tpu.memory_space<vmem>>, vector<1x16xf32>,
      %get3A_419 = vector.shape_cast %get3A_418 : vector<1x16xf32> to vector<16xf32>
      %mul3A_420 = arith.constant 16 : i32
      %mul3A_421 = arith.muli %scan3A_413, %mul3A_420 : i32
      %get3A_422 = arith.constant 1 : i32
      %get3A_423 = arith.index_cast %get3A_422 : i32 to index
      %get3A_424 = arith.index_cast %mul3A_421 : i32 to index
      %get3A_425 = tpu.vector_load %arg5[%get3A_423, %get3A_424] {strides = array<i32>} : memref<2x8192xf32, #tpu.memory_space<vmem>>, vector<1x16xf32>,
      %get3A_426 = vector.shape_cast %get3A_425 : vector<1x16xf32> to vector<16xf32>
      %sub3A = arith.subf %get3A_426, %get3A_419 : vector<16xf32>
      %exp3A = math.exp %sub3A : vector<16xf32>
      %add3A_427 = arith.constant 1.000000e+00 : f32
      %add3A_428 = vector.broadcast %add3A_427 : f32 to vector<16xf32>
      %add3A_429 = arith.addf %add3A_428, %exp3A : vector<16xf32>
      %div3A = arith.constant 1.000000e+00 : f32
      %div3A_430 = vector.broadcast %div3A : f32 to vector<16xf32>
      %div3A_431 = arith.divf %div3A_430, %add3A_429 : vector<16xf32>
      %mul3A_432 = arith.constant 16 : i32
      %mul3A_433 = arith.muli %scan3A_413, %mul3A_432 : i32
      %swap3A = arith.constant 1 : i32
      %swap3A_434 = arith.index_cast %swap3A : i32 to index
      %swap3A_435 = arith.index_cast %mul3A_433 : i32 to index
      %swap3A_436 = tpu.vector_load %arg6[%swap3A_434, %swap3A_435] {strides = array<i32>} : memref<2x8192xf32, #tpu.memory_space<vmem>>, vector<1x16xf32>,
      %swap3A_437 = vector.shape_cast %swap3A_436 : vector<1x16xf32> to vector<16xf32>
      %swap3A_438 = vector.shape_cast %div3A_431 : vector<16xf32> to vector<1x16xf32>
      tpu.vector_store %arg6[%swap3A_434, %swap3A_435], %swap3A_438 {strides = array<i32>} : memref<2x8192xf32, #tpu.memory_space<vmem>>, vector<1x16xf32>,
    }
    %scan3A_185 = arith.constant 512 : i32
    %add3A_186 = arith.constant 32 : i32
    %add3A_187 = arith.addi %add3A, %add3A_186 : i32
    %min3A_188 = arith.constant 122 : i32
    %min3A_189 = arith.minsi %add3A_187, %min3A_188 : i32
    %mul3A_190 = arith.constant 8192 : i32
    %mul3A_191 = arith.muli %min3A_189, %mul3A_190 : i32
    %min3A_192 = arith.constant 991808 : i32
    %min3A_193 = arith.minsi %mul3A_191, %min3A_192 : i32
    %dma_start3A_194 = arith.constant 1 : i32
    %dma_start3A_195 = arith.constant 0 : i32
    %dma_start3A_196 = tpu.memref_slice %arg6[%dma_start3A_194, %dma_start3A_195] : memref<2x8192xf32, #tpu.memory_space<vmem>> -> memref<1x8192xf32, #tpu.memory_space<vmem>>
    %dma_start3A_197 = tpu.memref_squeeze %dma_start3A_196 : memref<1x8192xf32, #tpu.memory_space<vmem>> -> memref<8192xf32, #tpu.memory_space<vmem>>
    %dma_start3A_198 = tpu.memref_slice %arg3[%min3A_193] : memref<1000000xf32, #tpu.memory_space<hbm>> -> memref<8192xf32, #tpu.memory_space<hbm>>
    %dma_start3A_199 = tpu.memref_slice %arg3[%min3A_193] : memref<1000000xf32, #tpu.memory_space<hbm>> -> memref<8192xf32, #tpu.memory_space<hbm>>
    %dma_start3A_200 = arith.constant 0 : i32
    %dma_start3A_201 = tpu.memref_slice %arg6[%dma_start3A_194, %dma_start3A_200] : memref<2x8192xf32, #tpu.memory_space<vmem>> -> memref<1x8192xf32, #tpu.memory_space<vmem>>
    %dma_start3A_202 = tpu.memref_squeeze %dma_start3A_201 : memref<1x8192xf32, #tpu.memory_space<vmem>> -> memref<8192xf32, #tpu.memory_space<vmem>>
    tpu.enqueue_dma source(%dma_start3A_202 : memref<8192xf32, #tpu.memory_space<vmem>>) target(%dma_start3A_199 : memref<8192xf32, #tpu.memory_space<hbm>>) target_semaphore(%arg9 : memref<!tpu.dma_semaphore, #tpu.memory_space<semaphore_mem>>)
    %add3A_203 = arith.constant 96 : i32
    %add3A_204 = arith.addi %add3A, %add3A_203 : i32
    %min3A_205 = arith.constant 122 : i32
    %min3A_206 = arith.minsi %add3A_204, %min3A_205 : i32
    %mul3A_207 = arith.constant 8192 : i32
    %mul3A_208 = arith.muli %min3A_206, %mul3A_207 : i32
    %min3A_209 = arith.constant 991808 : i32
    %min3A_210 = arith.minsi %mul3A_208, %min3A_209 : i32
    %dma_start3A_211 = arith.constant 0 : i32
    %dma_start3A_212 = arith.constant 1 : i32
    %dma_start3A_213 = arith.constant 0 : i32
    %dma_start3A_214 = tpu.memref_slice %arg4[%dma_start3A_212, %dma_start3A_213] : memref<2x8192xf32, #tpu.memory_space<vmem>> -> memref<1x8192xf32, #tpu.memory_space<vmem>>
    %dma_start3A_215 = tpu.memref_squeeze %dma_start3A_214 : memref<1x8192xf32, #tpu.memory_space<vmem>> -> memref<8192xf32, #tpu.memory_space<vmem>>
    %dma_start3A_216 = tpu.memref_slice %arg2[%dma_start3A_211, %min3A_210] : memref<2x1000000xf32, #tpu.memory_space<hbm>> -> memref<1x8192xf32, #tpu.memory_space<hbm>>
    %dma_start3A_217 = tpu.memref_squeeze %dma_start3A_216 : memref<1x8192xf32, #tpu.memory_space<hbm>> -> memref<8192xf32, #tpu.memory_space<hbm>>
    %dma_start3A_218 = arith.constant 0 : i32
    %dma_start3A_219 = tpu.memref_slice %arg4[%dma_start3A_212, %dma_start3A_218] : memref<2x8192xf32, #tpu.memory_space<vmem>> -> memref<1x8192xf32, #tpu.memory_space<vmem>>
    %dma_start3A_220 = tpu.memref_squeeze %dma_start3A_219 : memref<1x8192xf32, #tpu.memory_space<vmem>> -> memref<8192xf32, #tpu.memory_space<vmem>>
    %dma_start3A_221 = tpu.memref_slice %arg2[%dma_start3A_211, %min3A_210] : memref<2x1000000xf32, #tpu.memory_space<hbm>> -> memref<1x8192xf32, #tpu.memory_space<hbm>>
    %dma_start3A_222 = tpu.memref_squeeze %dma_start3A_221 : memref<1x8192xf32, #tpu.memory_space<hbm>> -> memref<8192xf32, #tpu.memory_space<hbm>>
    tpu.enqueue_dma source(%dma_start3A_222 : memref<8192xf32, #tpu.memory_space<hbm>>) target(%dma_start3A_220 : memref<8192xf32, #tpu.memory_space<vmem>>) target_semaphore(%arg7 : memref<!tpu.dma_semaphore, #tpu.memory_space<semaphore_mem>>)
    %dma_start3A_223 = arith.constant 1 : i32
    %dma_start3A_224 = arith.constant 1 : i32
    %dma_start3A_225 = arith.constant 0 : i32
    %dma_start3A_226 = tpu.memref_slice %arg5[%dma_start3A_224, %dma_start3A_225] : memref<2x8192xf32, #tpu.memory_space<vmem>> -> memref<1x8192xf32, #tpu.memory_space<vmem>>
    %dma_start3A_227 = tpu.memref_squeeze %dma_start3A_226 : memref<1x8192xf32, #tpu.memory_space<vmem>> -> memref<8192xf32, #tpu.memory_space<vmem>>
    %dma_start3A_228 = tpu.memref_slice %arg2[%dma_start3A_223, %min3A_210] : memref<2x1000000xf32, #tpu.memory_space<hbm>> -> memref<1x8192xf32, #tpu.memory_space<hbm>>
    %dma_start3A_229 = tpu.memref_squeeze %dma_start3A_228 : memref<1x8192xf32, #tpu.memory_space<hbm>> -> memref<8192xf32, #tpu.memory_space<hbm>>
    %dma_start3A_230 = arith.constant 0 : i32
    %dma_start3A_231 = tpu.memref_slice %arg5[%dma_start3A_224, %dma_start3A_230] : memref<2x8192xf32, #tpu.memory_space<vmem>> -> memref<1x8192xf32, #tpu.memory_space<vmem>>
    %dma_start3A_232 = tpu.memref_squeeze %dma_start3A_231 : memref<1x8192xf32, #tpu.memory_space<vmem>> -> memref<8192xf32, #tpu.memory_space<vmem>>
    %dma_start3A_233 = tpu.memref_slice %arg2[%dma_start3A_223, %min3A_210] : memref<2x1000000xf32, #tpu.memory_space<hbm>> -> memref<1x8192xf32, #tpu.memory_space<hbm>>
    %dma_start3A_234 = tpu.memref_squeeze %dma_start3A_233 : memref<1x8192xf32, #tpu.memory_space<hbm>> -> memref<8192xf32, #tpu.memory_space<hbm>>
    tpu.enqueue_dma source(%dma_start3A_234 : memref<8192xf32, #tpu.memory_space<hbm>>) target(%dma_start3A_232 : memref<8192xf32, #tpu.memory_space<vmem>>) target_semaphore(%arg7 : memref<!tpu.dma_semaphore, #tpu.memory_space<semaphore_mem>>)
    %add3A_235 = arith.constant 64 : i32
    %add3A_236 = arith.addi %add3A, %add3A_235 : i32
    %min3A_237 = arith.constant 122 : i32
    %min3A_238 = arith.minsi %add3A_236, %min3A_237 : i32
    %mul3A_239 = arith.constant 8192 : i32
    %mul3A_240 = arith.muli %min3A_238, %mul3A_239 : i32
    %min3A_241 = arith.constant 991808 : i32
    %min3A_242 = arith.minsi %mul3A_240, %min3A_241 : i32
    %dma_wait3A_243 = arith.constant 0 : i32
    %dma_wait3A_244 = arith.constant 0 : i32
    %dma_wait3A_245 = arith.constant 0 : i32
    %dma_wait3A_246 = tpu.memref_slice %arg4[%dma_wait3A_244, %dma_wait3A_245] : memref<2x8192xf32, #tpu.memory_space<vmem>> -> memref<1x8192xf32, #tpu.memory_space<vmem>>
    %dma_wait3A_247 = tpu.memref_squeeze %dma_wait3A_246 : memref<1x8192xf32, #tpu.memory_space<vmem>> -> memref<8192xf32, #tpu.memory_space<vmem>>
    %dma_wait3A_248 = tpu.memref_slice %arg2[%dma_wait3A_243, %min3A_242] : memref<2x1000000xf32, #tpu.memory_space<hbm>> -> memref<1x8192xf32, #tpu.memory_space<hbm>>
    %dma_wait3A_249 = tpu.memref_squeeze %dma_wait3A_248 : memref<1x8192xf32, #tpu.memory_space<hbm>> -> memref<8192xf32, #tpu.memory_space<hbm>>
    %dma_wait3A_250 = arith.constant 0 : i32
    %dma_wait3A_251 = tpu.memref_slice %arg4[%dma_wait3A_244, %dma_wait3A_250] : memref<2x8192xf32, #tpu.memory_space<vmem>> -> memref<1x8192xf32, #tpu.memory_space<vmem>>
    %dma_wait3A_252 = tpu.memref_squeeze %dma_wait3A_251 : memref<1x8192xf32, #tpu.memory_space<vmem>> -> memref<8192xf32, #tpu.memory_space<vmem>>
    %dma_wait3A_253 = tpu.memref_slice %arg2[%dma_wait3A_243, %min3A_242] : memref<2x1000000xf32, #tpu.memory_space<hbm>> -> memref<1x8192xf32, #tpu.memory_space<hbm>>
    %dma_wait3A_254 = tpu.memref_squeeze %dma_wait3A_253 : memref<1x8192xf32, #tpu.memory_space<hbm>> -> memref<8192xf32, #tpu.memory_space<hbm>>
    tpu.wait_dma2 semaphore(%arg7 : memref<!tpu.dma_semaphore, #tpu.memory_space<semaphore_mem>>) src(%dma_wait3A_254 : memref<8192xf32, #tpu.memory_space<hbm>>) dst(%dma_wait3A_252 : memref<8192xf32, #tpu.memory_space<vmem>>)
    %dma_wait3A_255 = arith.constant 1 : i32
    %dma_wait3A_256 = arith.constant 0 : i32
    %dma_wait3A_257 = arith.constant 0 : i32
    %dma_wait3A_258 = tpu.memref_slice %arg5[%dma_wait3A_256, %dma_wait3A_257] : memref<2x8192xf32, #tpu.memory_space<vmem>> -> memref<1x8192xf32, #tpu.memory_space<vmem>>
    %dma_wait3A_259 = tpu.memref_squeeze %dma_wait3A_258 : memref<1x8192xf32, #tpu.memory_space<vmem>> -> memref<8192xf32, #tpu.memory_space<vmem>>
    %dma_wait3A_260 = tpu.memref_slice %arg2[%dma_wait3A_255, %min3A_242] : memref<2x1000000xf32, #tpu.memory_space<hbm>> -> memref<1x8192xf32, #tpu.memory_space<hbm>>
    %dma_wait3A_261 = tpu.memref_squeeze %dma_wait3A_260 : memref<1x8192xf32, #tpu.memory_space<hbm>> -> memref<8192xf32, #tpu.memory_space<hbm>>
    %dma_wait3A_262 = arith.constant 0 : i32
    %dma_wait3A_263 = tpu.memref_slice %arg5[%dma_wait3A_256, %dma_wait3A_262] : memref<2x8192xf32, #tpu.memory_space<vmem>> -> memref<1x8192xf32, #tpu.memory_space<vmem>>
    %dma_wait3A_264 = tpu.memref_squeeze %dma_wait3A_263 : memref<1x8192xf32, #tpu.memory_space<vmem>> -> memref<8192xf32, #tpu.memory_space<vmem>>
    %dma_wait3A_265 = tpu.memref_slice %arg2[%dma_wait3A_255, %min3A_242] : memref<2x1000000xf32, #tpu.memory_space<hbm>> -> memref<1x8192xf32, #tpu.memory_space<hbm>>
    %dma_wait3A_266 = tpu.memref_squeeze %dma_wait3A_265 : memref<1x8192xf32, #tpu.memory_space<hbm>> -> memref<8192xf32, #tpu.memory_space<hbm>>
    tpu.wait_dma2 semaphore(%arg7 : memref<!tpu.dma_semaphore, #tpu.memory_space<semaphore_mem>>) src(%dma_wait3A_266 : memref<8192xf32, #tpu.memory_space<hbm>>) dst(%dma_wait3A_264 : memref<8192xf32, #tpu.memory_space<vmem>>)
    %add3A_267 = arith.constant 0 : i32
    %add3A_268 = arith.addi %add3A, %add3A_267 : i32
    %min3A_269 = arith.constant 122 : i32
    %min3A_270 = arith.minsi %add3A_268, %min3A_269 : i32
    %mul3A_271 = arith.constant 8192 : i32
    %mul3A_272 = arith.muli %min3A_270, %mul3A_271 : i32
    %min3A_273 = arith.constant 991808 : i32
    %min3A_274 = arith.minsi %mul3A_272, %min3A_273 : i32
    %dma_wait3A_275 = arith.constant 0 : i32
    %dma_wait3A_276 = arith.constant 0 : i32
    %dma_wait3A_277 = tpu.memref_slice %arg6[%dma_wait3A_275, %dma_wait3A_276] : memref<2x8192xf32, #tpu.memory_space<vmem>> -> memref<1x8192xf32, #tpu.memory_space<vmem>>
    %dma_wait3A_278 = tpu.memref_squeeze %dma_wait3A_277 : memref<1x8192xf32, #tpu.memory_space<vmem>> -> memref<8192xf32, #tpu.memory_space<vmem>>
    %dma_wait3A_279 = tpu.memref_slice %arg3[%min3A_274] : memref<1000000xf32, #tpu.memory_space<hbm>> -> memref<8192xf32, #tpu.memory_space<hbm>>
    %dma_wait3A_280 = tpu.memref_slice %arg3[%min3A_274] : memref<1000000xf32, #tpu.memory_space<hbm>> -> memref<8192xf32, #tpu.memory_space<hbm>>
    %dma_wait3A_281 = arith.constant 0 : i32
    %dma_wait3A_282 = tpu.memref_slice %arg6[%dma_wait3A_275, %dma_wait3A_281] : memref<2x8192xf32, #tpu.memory_space<vmem>> -> memref<1x8192xf32, #tpu.memory_space<vmem>>
    %dma_wait3A_283 = tpu.memref_squeeze %dma_wait3A_282 : memref<1x8192xf32, #tpu.memory_space<vmem>> -> memref<8192xf32, #tpu.memory_space<vmem>>
    tpu.wait_dma2 semaphore(%arg8 : memref<!tpu.dma_semaphore, #tpu.memory_space<semaphore_mem>>) src(%dma_wait3A_283 : memref<8192xf32, #tpu.memory_space<vmem>>) dst(%dma_wait3A_280 : memref<8192xf32, #tpu.memory_space<hbm>>)
    %scan3A_284 = arith.constant 0 : i32
    %scan3A_285 = arith.constant 0 : i32
    %scan3A_286 = arith.constant 512 : i32
    %scan3A_287 = arith.addi %scan3A_285, %scan3A_286 : i32
    %scan3A_288 = arith.constant 1 : i32
    scf.for %scan3A_413 = %scan3A_285 to %scan3A_287 step %scan3A_288  : i32 {
      %mul3A_414 = arith.constant 16 : i32
      %mul3A_415 = arith.muli %scan3A_413, %mul3A_414 : i32
      %get3A = arith.constant 0 : i32
      %get3A_416 = arith.index_cast %get3A : i32 to index
      %get3A_417 = arith.index_cast %mul3A_415 : i32 to index
      %get3A_418 = tpu.vector_load %arg4[%get3A_416, %get3A_417] {strides = array<i32>} : memref<2x8192xf32, #tpu.memory_space<vmem>>, vector<1x16xf32>,
      %get3A_419 = vector.shape_cast %get3A_418 : vector<1x16xf32> to vector<16xf32>
      %mul3A_420 = arith.constant 16 : i32
      %mul3A_421 = arith.muli %scan3A_413, %mul3A_420 : i32
      %get3A_422 = arith.constant 0 : i32
      %get3A_423 = arith.index_cast %get3A_422 : i32 to index
      %get3A_424 = arith.index_cast %mul3A_421 : i32 to index
      %get3A_425 = tpu.vector_load %arg5[%get3A_423, %get3A_424] {strides = array<i32>} : memref<2x8192xf32, #tpu.memory_space<vmem>>, vector<1x16xf32>,
      %get3A_426 = vector.shape_cast %get3A_425 : vector<1x16xf32> to vector<16xf32>
      %sub3A = arith.subf %get3A_426, %get3A_419 : vector<16xf32>
      %exp3A = math.exp %sub3A : vector<16xf32>
      %add3A_427 = arith.constant 1.000000e+00 : f32
      %add3A_428 = vector.broadcast %add3A_427 : f32 to vector<16xf32>
      %add3A_429 = arith.addf %add3A_428, %exp3A : vector<16xf32>
      %div3A = arith.constant 1.000000e+00 : f32
      %div3A_430 = vector.broadcast %div3A : f32 to vector<16xf32>
      %div3A_431 = arith.divf %div3A_430, %add3A_429 : vector<16xf32>
      %mul3A_432 = arith.constant 16 : i32
      %mul3A_433 = arith.muli %scan3A_413, %mul3A_432 : i32
      %swap3A = arith.constant 0 : i32
      %swap3A_434 = arith.index_cast %swap3A : i32 to index
      %swap3A_435 = arith.index_cast %mul3A_433 : i32 to index
      %swap3A_436 = tpu.vector_load %arg6[%swap3A_434, %swap3A_435] {strides = array<i32>} : memref<2x8192xf32, #tpu.memory_space<vmem>>, vector<1x16xf32>,
      %swap3A_437 = vector.shape_cast %swap3A_436 : vector<1x16xf32> to vector<16xf32>
      %swap3A_438 = vector.shape_cast %div3A_431 : vector<16xf32> to vector<1x16xf32>
      tpu.vector_store %arg6[%swap3A_434, %swap3A_435], %swap3A_438 {strides = array<i32>} : memref<2x8192xf32, #tpu.memory_space<vmem>>, vector<1x16xf32>,
    }
    %scan3A_289 = arith.constant 512 : i32
    %add3A_290 = arith.constant 64 : i32
    %add3A_291 = arith.addi %add3A, %add3A_290 : i32
    %min3A_292 = arith.constant 122 : i32
    %min3A_293 = arith.minsi %add3A_291, %min3A_292 : i32
    %mul3A_294 = arith.constant 8192 : i32
    %mul3A_295 = arith.muli %min3A_293, %mul3A_294 : i32
    %min3A_296 = arith.constant 991808 : i32
    %min3A_297 = arith.minsi %mul3A_295, %min3A_296 : i32
    %dma_start3A_298 = arith.constant 0 : i32
    %dma_start3A_299 = arith.constant 0 : i32
    %dma_start3A_300 = tpu.memref_slice %arg6[%dma_start3A_298, %dma_start3A_299] : memref<2x8192xf32, #tpu.memory_space<vmem>> -> memref<1x8192xf32, #tpu.memory_space<vmem>>
    %dma_start3A_301 = tpu.memref_squeeze %dma_start3A_300 : memref<1x8192xf32, #tpu.memory_space<vmem>> -> memref<8192xf32, #tpu.memory_space<vmem>>
    %dma_start3A_302 = tpu.memref_slice %arg3[%min3A_297] : memref<1000000xf32, #tpu.memory_space<hbm>> -> memref<8192xf32, #tpu.memory_space<hbm>>
    %dma_start3A_303 = tpu.memref_slice %arg3[%min3A_297] : memref<1000000xf32, #tpu.memory_space<hbm>> -> memref<8192xf32, #tpu.memory_space<hbm>>
    %dma_start3A_304 = arith.constant 0 : i32
    %dma_start3A_305 = tpu.memref_slice %arg6[%dma_start3A_298, %dma_start3A_304] : memref<2x8192xf32, #tpu.memory_space<vmem>> -> memref<1x8192xf32, #tpu.memory_space<vmem>>
    %dma_start3A_306 = tpu.memref_squeeze %dma_start3A_305 : memref<1x8192xf32, #tpu.memory_space<vmem>> -> memref<8192xf32, #tpu.memory_space<vmem>>
    tpu.enqueue_dma source(%dma_start3A_306 : memref<8192xf32, #tpu.memory_space<vmem>>) target(%dma_start3A_303 : memref<8192xf32, #tpu.memory_space<hbm>>) target_semaphore(%arg8 : memref<!tpu.dma_semaphore, #tpu.memory_space<semaphore_mem>>)
    %add3A_307 = arith.constant 96 : i32
    %add3A_308 = arith.addi %add3A, %add3A_307 : i32
    %min3A_309 = arith.constant 122 : i32
    %min3A_310 = arith.minsi %add3A_308, %min3A_309 : i32
    %mul3A_311 = arith.constant 8192 : i32
    %mul3A_312 = arith.muli %min3A_310, %mul3A_311 : i32
    %min3A_313 = arith.constant 991808 : i32
    %min3A_314 = arith.minsi %mul3A_312, %min3A_313 : i32
    %dma_wait3A_315 = arith.constant 0 : i32
    %dma_wait3A_316 = arith.constant 1 : i32
    %dma_wait3A_317 = arith.constant 0 : i32
    %dma_wait3A_318 = tpu.memref_slice %arg4[%dma_wait3A_316, %dma_wait3A_317] : memref<2x8192xf32, #tpu.memory_space<vmem>> -> memref<1x8192xf32, #tpu.memory_space<vmem>>
    %dma_wait3A_319 = tpu.memref_squeeze %dma_wait3A_318 : memref<1x8192xf32, #tpu.memory_space<vmem>> -> memref<8192xf32, #tpu.memory_space<vmem>>
    %dma_wait3A_320 = tpu.memref_slice %arg2[%dma_wait3A_315, %min3A_314] : memref<2x1000000xf32, #tpu.memory_space<hbm>> -> memref<1x8192xf32, #tpu.memory_space<hbm>>
    %dma_wait3A_321 = tpu.memref_squeeze %dma_wait3A_320 : memref<1x8192xf32, #tpu.memory_space<hbm>> -> memref<8192xf32, #tpu.memory_space<hbm>>
    %dma_wait3A_322 = arith.constant 0 : i32
    %dma_wait3A_323 = tpu.memref_slice %arg4[%dma_wait3A_316, %dma_wait3A_322] : memref<2x8192xf32, #tpu.memory_space<vmem>> -> memref<1x8192xf32, #tpu.memory_space<vmem>>
    %dma_wait3A_324 = tpu.memref_squeeze %dma_wait3A_323 : memref<1x8192xf32, #tpu.memory_space<vmem>> -> memref<8192xf32, #tpu.memory_space<vmem>>
    %dma_wait3A_325 = tpu.memref_slice %arg2[%dma_wait3A_315, %min3A_314] : memref<2x1000000xf32, #tpu.memory_space<hbm>> -> memref<1x8192xf32, #tpu.memory_space<hbm>>
    %dma_wait3A_326 = tpu.memref_squeeze %dma_wait3A_325 : memref<1x8192xf32, #tpu.memory_space<hbm>> -> memref<8192xf32, #tpu.memory_space<hbm>>
    tpu.wait_dma2 semaphore(%arg7 : memref<!tpu.dma_semaphore, #tpu.memory_space<semaphore_mem>>) src(%dma_wait3A_326 : memref<8192xf32, #tpu.memory_space<hbm>>) dst(%dma_wait3A_324 : memref<8192xf32, #tpu.memory_space<vmem>>)
    %dma_wait3A_327 = arith.constant 1 : i32
    %dma_wait3A_328 = arith.constant 1 : i32
    %dma_wait3A_329 = arith.constant 0 : i32
    %dma_wait3A_330 = tpu.memref_slice %arg5[%dma_wait3A_328, %dma_wait3A_329] : memref<2x8192xf32, #tpu.memory_space<vmem>> -> memref<1x8192xf32, #tpu.memory_space<vmem>>
    %dma_wait3A_331 = tpu.memref_squeeze %dma_wait3A_330 : memref<1x8192xf32, #tpu.memory_space<vmem>> -> memref<8192xf32, #tpu.memory_space<vmem>>
    %dma_wait3A_332 = tpu.memref_slice %arg2[%dma_wait3A_327, %min3A_314] : memref<2x1000000xf32, #tpu.memory_space<hbm>> -> memref<1x8192xf32, #tpu.memory_space<hbm>>
    %dma_wait3A_333 = tpu.memref_squeeze %dma_wait3A_332 : memref<1x8192xf32, #tpu.memory_space<hbm>> -> memref<8192xf32, #tpu.memory_space<hbm>>
    %dma_wait3A_334 = arith.constant 0 : i32
    %dma_wait3A_335 = tpu.memref_slice %arg5[%dma_wait3A_328, %dma_wait3A_334] : memref<2x8192xf32, #tpu.memory_space<vmem>> -> memref<1x8192xf32, #tpu.memory_space<vmem>>
    %dma_wait3A_336 = tpu.memref_squeeze %dma_wait3A_335 : memref<1x8192xf32, #tpu.memory_space<vmem>> -> memref<8192xf32, #tpu.memory_space<vmem>>
    %dma_wait3A_337 = tpu.memref_slice %arg2[%dma_wait3A_327, %min3A_314] : memref<2x1000000xf32, #tpu.memory_space<hbm>> -> memref<1x8192xf32, #tpu.memory_space<hbm>>
    %dma_wait3A_338 = tpu.memref_squeeze %dma_wait3A_337 : memref<1x8192xf32, #tpu.memory_space<hbm>> -> memref<8192xf32, #tpu.memory_space<hbm>>
    tpu.wait_dma2 semaphore(%arg7 : memref<!tpu.dma_semaphore, #tpu.memory_space<semaphore_mem>>) src(%dma_wait3A_338 : memref<8192xf32, #tpu.memory_space<hbm>>) dst(%dma_wait3A_336 : memref<8192xf32, #tpu.memory_space<vmem>>)
    %add3A_339 = arith.constant 32 : i32
    %add3A_340 = arith.addi %add3A, %add3A_339 : i32
    %min3A_341 = arith.constant 122 : i32
    %min3A_342 = arith.minsi %add3A_340, %min3A_341 : i32
    %mul3A_343 = arith.constant 8192 : i32
    %mul3A_344 = arith.muli %min3A_342, %mul3A_343 : i32
    %min3A_345 = arith.constant 991808 : i32
    %min3A_346 = arith.minsi %mul3A_344, %min3A_345 : i32
    %dma_wait3A_347 = arith.constant 1 : i32
    %dma_wait3A_348 = arith.constant 0 : i32
    %dma_wait3A_349 = tpu.memref_slice %arg6[%dma_wait3A_347, %dma_wait3A_348] : memref<2x8192xf32, #tpu.memory_space<vmem>> -> memref<1x8192xf32, #tpu.memory_space<vmem>>
    %dma_wait3A_350 = tpu.memref_squeeze %dma_wait3A_349 : memref<1x8192xf32, #tpu.memory_space<vmem>> -> memref<8192xf32, #tpu.memory_space<vmem>>
    %dma_wait3A_351 = tpu.memref_slice %arg3[%min3A_346] : memref<1000000xf32, #tpu.memory_space<hbm>> -> memref<8192xf32, #tpu.memory_space<hbm>>
    %dma_wait3A_352 = tpu.memref_slice %arg3[%min3A_346] : memref<1000000xf32, #tpu.memory_space<hbm>> -> memref<8192xf32, #tpu.memory_space<hbm>>
    %dma_wait3A_353 = arith.constant 0 : i32
    %dma_wait3A_354 = tpu.memref_slice %arg6[%dma_wait3A_347, %dma_wait3A_353] : memref<2x8192xf32, #tpu.memory_space<vmem>> -> memref<1x8192xf32, #tpu.memory_space<vmem>>
    %dma_wait3A_355 = tpu.memref_squeeze %dma_wait3A_354 : memref<1x8192xf32, #tpu.memory_space<vmem>> -> memref<8192xf32, #tpu.memory_space<vmem>>
    tpu.wait_dma2 semaphore(%arg9 : memref<!tpu.dma_semaphore, #tpu.memory_space<semaphore_mem>>) src(%dma_wait3A_355 : memref<8192xf32, #tpu.memory_space<vmem>>) dst(%dma_wait3A_352 : memref<8192xf32, #tpu.memory_space<hbm>>)
    %scan3A_356 = arith.constant 0 : i32
    %scan3A_357 = arith.constant 0 : i32
    %scan3A_358 = arith.constant 512 : i32
    %scan3A_359 = arith.addi %scan3A_357, %scan3A_358 : i32
    %scan3A_360 = arith.constant 1 : i32
    scf.for %scan3A_413 = %scan3A_357 to %scan3A_359 step %scan3A_360  : i32 {
      %mul3A_414 = arith.constant 16 : i32
      %mul3A_415 = arith.muli %scan3A_413, %mul3A_414 : i32
      %get3A = arith.constant 1 : i32
      %get3A_416 = arith.index_cast %get3A : i32 to index
      %get3A_417 = arith.index_cast %mul3A_415 : i32 to index
      %get3A_418 = tpu.vector_load %arg4[%get3A_416, %get3A_417] {strides = array<i32>} : memref<2x8192xf32, #tpu.memory_space<vmem>>, vector<1x16xf32>,
      %get3A_419 = vector.shape_cast %get3A_418 : vector<1x16xf32> to vector<16xf32>
      %mul3A_420 = arith.constant 16 : i32
      %mul3A_421 = arith.muli %scan3A_413, %mul3A_420 : i32
      %get3A_422 = arith.constant 1 : i32
      %get3A_423 = arith.index_cast %get3A_422 : i32 to index
      %get3A_424 = arith.index_cast %mul3A_421 : i32 to index
      %get3A_425 = tpu.vector_load %arg5[%get3A_423, %get3A_424] {strides = array<i32>} : memref<2x8192xf32, #tpu.memory_space<vmem>>, vector<1x16xf32>,
      %get3A_426 = vector.shape_cast %get3A_425 : vector<1x16xf32> to vector<16xf32>
      %sub3A = arith.subf %get3A_426, %get3A_419 : vector<16xf32>
      %exp3A = math.exp %sub3A : vector<16xf32>
      %add3A_427 = arith.constant 1.000000e+00 : f32
      %add3A_428 = vector.broadcast %add3A_427 : f32 to vector<16xf32>
      %add3A_429 = arith.addf %add3A_428, %exp3A : vector<16xf32>
      %div3A = arith.constant 1.000000e+00 : f32
      %div3A_430 = vector.broadcast %div3A : f32 to vector<16xf32>
      %div3A_431 = arith.divf %div3A_430, %add3A_429 : vector<16xf32>
      %mul3A_432 = arith.constant 16 : i32
      %mul3A_433 = arith.muli %scan3A_413, %mul3A_432 : i32
      %swap3A = arith.constant 1 : i32
      %swap3A_434 = arith.index_cast %swap3A : i32 to index
      %swap3A_435 = arith.index_cast %mul3A_433 : i32 to index
      %swap3A_436 = tpu.vector_load %arg6[%swap3A_434, %swap3A_435] {strides = array<i32>} : memref<2x8192xf32, #tpu.memory_space<vmem>>, vector<1x16xf32>,
      %swap3A_437 = vector.shape_cast %swap3A_436 : vector<1x16xf32> to vector<16xf32>
      %swap3A_438 = vector.shape_cast %div3A_431 : vector<16xf32> to vector<1x16xf32>
      tpu.vector_store %arg6[%swap3A_434, %swap3A_435], %swap3A_438 {strides = array<i32>} : memref<2x8192xf32, #tpu.memory_space<vmem>>, vector<1x16xf32>,
    }
    %scan3A_361 = arith.constant 512 : i32
    %add3A_362 = arith.constant 96 : i32
    %add3A_363 = arith.addi %add3A, %add3A_362 : i32
    %min3A_364 = arith.constant 122 : i32
    %min3A_365 = arith.minsi %add3A_363, %min3A_364 : i32
    %mul3A_366 = arith.constant 8192 : i32
    %mul3A_367 = arith.muli %min3A_365, %mul3A_366 : i32
    %min3A_368 = arith.constant 991808 : i32
    %min3A_369 = arith.minsi %mul3A_367, %min3A_368 : i32
    %dma_start3A_370 = arith.constant 1 : i32
    %dma_start3A_371 = arith.constant 0 : i32
    %dma_start3A_372 = tpu.memref_slice %arg6[%dma_start3A_370, %dma_start3A_371] : memref<2x8192xf32, #tpu.memory_space<vmem>> -> memref<1x8192xf32, #tpu.memory_space<vmem>>
    %dma_start3A_373 = tpu.memref_squeeze %dma_start3A_372 : memref<1x8192xf32, #tpu.memory_space<vmem>> -> memref<8192xf32, #tpu.memory_space<vmem>>
    %dma_start3A_374 = tpu.memref_slice %arg3[%min3A_369] : memref<1000000xf32, #tpu.memory_space<hbm>> -> memref<8192xf32, #tpu.memory_space<hbm>>
    %dma_start3A_375 = tpu.memref_slice %arg3[%min3A_369] : memref<1000000xf32, #tpu.memory_space<hbm>> -> memref<8192xf32, #tpu.memory_space<hbm>>
    %dma_start3A_376 = arith.constant 0 : i32
    %dma_start3A_377 = tpu.memref_slice %arg6[%dma_start3A_370, %dma_start3A_376] : memref<2x8192xf32, #tpu.memory_space<vmem>> -> memref<1x8192xf32, #tpu.memory_space<vmem>>
    %dma_start3A_378 = tpu.memref_squeeze %dma_start3A_377 : memref<1x8192xf32, #tpu.memory_space<vmem>> -> memref<8192xf32, #tpu.memory_space<vmem>>
    tpu.enqueue_dma source(%dma_start3A_378 : memref<8192xf32, #tpu.memory_space<vmem>>) target(%dma_start3A_375 : memref<8192xf32, #tpu.memory_space<hbm>>) target_semaphore(%arg9 : memref<!tpu.dma_semaphore, #tpu.memory_space<semaphore_mem>>)
    %add3A_379 = arith.constant 64 : i32
    %add3A_380 = arith.addi %add3A, %add3A_379 : i32
    %min3A_381 = arith.constant 122 : i32
    %min3A_382 = arith.minsi %add3A_380, %min3A_381 : i32
    %mul3A_383 = arith.constant 8192 : i32
    %mul3A_384 = arith.muli %min3A_382, %mul3A_383 : i32
    %min3A_385 = arith.constant 991808 : i32
    %min3A_386 = arith.minsi %mul3A_384, %min3A_385 : i32
    %dma_wait3A_387 = arith.constant 0 : i32
    %dma_wait3A_388 = arith.constant 0 : i32
    %dma_wait3A_389 = tpu.memref_slice %arg6[%dma_wait3A_387, %dma_wait3A_388] : memref<2x8192xf32, #tpu.memory_space<vmem>> -> memref<1x8192xf32, #tpu.memory_space<vmem>>
    %dma_wait3A_390 = tpu.memref_squeeze %dma_wait3A_389 : memref<1x8192xf32, #tpu.memory_space<vmem>> -> memref<8192xf32, #tpu.memory_space<vmem>>
    %dma_wait3A_391 = tpu.memref_slice %arg3[%min3A_386] : memref<1000000xf32, #tpu.memory_space<hbm>> -> memref<8192xf32, #tpu.memory_space<hbm>>
    %dma_wait3A_392 = tpu.memref_slice %arg3[%min3A_386] : memref<1000000xf32, #tpu.memory_space<hbm>> -> memref<8192xf32, #tpu.memory_space<hbm>>
    %dma_wait3A_393 = arith.constant 0 : i32
    %dma_wait3A_394 = tpu.memref_slice %arg6[%dma_wait3A_387, %dma_wait3A_393] : memref<2x8192xf32, #tpu.memory_space<vmem>> -> memref<1x8192xf32, #tpu.memory_space<vmem>>
    %dma_wait3A_395 = tpu.memref_squeeze %dma_wait3A_394 : memref<1x8192xf32, #tpu.memory_space<vmem>> -> memref<8192xf32, #tpu.memory_space<vmem>>
    tpu.wait_dma2 semaphore(%arg8 : memref<!tpu.dma_semaphore, #tpu.memory_space<semaphore_mem>>) src(%dma_wait3A_395 : memref<8192xf32, #tpu.memory_space<vmem>>) dst(%dma_wait3A_392 : memref<8192xf32, #tpu.memory_space<hbm>>)
    %add3A_396 = arith.constant 96 : i32
    %add3A_397 = arith.addi %add3A, %add3A_396 : i32
    %min3A_398 = arith.constant 122 : i32
    %min3A_399 = arith.minsi %add3A_397, %min3A_398 : i32
    %mul3A_400 = arith.constant 8192 : i32
    %mul3A_401 = arith.muli %min3A_399, %mul3A_400 : i32
    %min3A_402 = arith.constant 991808 : i32
    %min3A_403 = arith.minsi %mul3A_401, %min3A_402 : i32
    %dma_wait3A_404 = arith.constant 1 : i32
    %dma_wait3A_405 = arith.constant 0 : i32
    %dma_wait3A_406 = tpu.memref_slice %arg6[%dma_wait3A_404, %dma_wait3A_405] : memref<2x8192xf32, #tpu.memory_space<vmem>> -> memref<1x8192xf32, #tpu.memory_space<vmem>>
    %dma_wait3A_407 = tpu.memref_squeeze %dma_wait3A_406 : memref<1x8192xf32, #tpu.memory_space<vmem>> -> memref<8192xf32, #tpu.memory_space<vmem>>
    %dma_wait3A_408 = tpu.memref_slice %arg3[%min3A_403] : memref<1000000xf32, #tpu.memory_space<hbm>> -> memref<8192xf32, #tpu.memory_space<hbm>>
    %dma_wait3A_409 = tpu.memref_slice %arg3[%min3A_403] : memref<1000000xf32, #tpu.memory_space<hbm>> -> memref<8192xf32, #tpu.memory_space<hbm>>
    %dma_wait3A_410 = arith.constant 0 : i32
    %dma_wait3A_411 = tpu.memref_slice %arg6[%dma_wait3A_404, %dma_wait3A_410] : memref<2x8192xf32, #tpu.memory_space<vmem>> -> memref<1x8192xf32, #tpu.memory_space<vmem>>
    %dma_wait3A_412 = tpu.memref_squeeze %dma_wait3A_411 : memref<1x8192xf32, #tpu.memory_space<vmem>> -> memref<8192xf32, #tpu.memory_space<vmem>>
    tpu.wait_dma2 semaphore(%arg9 : memref<!tpu.dma_semaphore, #tpu.memory_space<semaphore_mem>>) src(%dma_wait3A_412 : memref<8192xf32, #tpu.memory_space<vmem>>) dst(%dma_wait3A_409 : memref<8192xf32, #tpu.memory_space<hbm>>)
    return
  }
}

#map = affine_map<(d0, d1) -> (0, 0)>
#map1 = affine_map<(d0, d1) -> (0)>
#map2 = affine_map<(d0, d1) -> (0, 0, 0)>
module attributes {stable_mosaic.version = 14 : i64} {
  func.func @_gather_rows(%arg0: i32, %arg1: i32, %arg2: memref<25600x128xi32, #tpu.memory_space<hbm>>, %arg3: memref<1000000xf32, #tpu.memory_space<hbm>>, %arg4: memref<25600x2x128xf32, #tpu.memory_space<hbm>>, %arg5: memref<2x160x128xi32, #tpu.memory_space<vmem>>, %arg6: memref<160x128xf32, #tpu.memory_space<vmem>>, %arg7: memref<160x128xf32, #tpu.memory_space<vmem>>, %arg8: memref<160x128xf32, #tpu.memory_space<vmem>>, %arg9: memref<160x128xf32, #tpu.memory_space<vmem>>, %arg10: memref<!tpu.dma_semaphore, #tpu.memory_space<semaphore_mem>>, %arg11: memref<!tpu.dma_semaphore, #tpu.memory_space<semaphore_mem>>, %arg12: memref<!tpu.dma_semaphore, #tpu.memory_space<semaphore_mem>>) attributes {dimension_semantics = [#tpu.dimension_semantics<core_parallel>, #tpu.dimension_semantics<subcore_parallel>], iteration_bounds = array<i64: 2, 16>, scalar_prefetch = 0 : i64, scratch_operands = 8 : i64, tpu.core_type = #tpu.core_type<sc_vector_subcore>, window_params = [{transform_indices = #map}, {transform_indices = #map1}, {transform_indices = #map2}]} {
    %mul3A = arith.constant 2 : i32
    %mul3A_0 = arith.muli %arg1, %mul3A : i32
    %add3A = arith.addi %mul3A_0, %arg0 : i32
    %mul3A_1 = arith.constant 800 : i32
    %mul3A_2 = arith.muli %add3A, %mul3A_1 : i32
    %run_scoped3A = arith.constant 0 : i32
    "tpu.region"() ({
      %run_scoped3A_262 = tpu.sem_alloc : memref<!tpu.dma_semaphore, #tpu.memory_space<semaphore_mem>>
      %dma_start3A_263 = arith.constant 0 : i32
      %dma_start3A_264 = arith.constant 0 : i32
      %dma_start3A_265 = tpu.memref_slice %arg5[%run_scoped3A, %dma_start3A_263, %dma_start3A_264] : memref<2x160x128xi32, #tpu.memory_space<vmem>> -> memref<1x160x128xi32, #tpu.memory_space<vmem>>
      %dma_start3A_266 = tpu.memref_squeeze %dma_start3A_265 : memref<1x160x128xi32, #tpu.memory_space<vmem>> -> memref<160x128xi32, #tpu.memory_space<vmem>>
      %dma_start3A_267 = arith.constant 0 : i32
      %dma_start3A_268 = tpu.memref_slice %arg2[%mul3A_2, %dma_start3A_267] : memref<25600x128xi32, #tpu.memory_space<hbm>> -> memref<160x128xi32, #tpu.memory_space<hbm>>
      %dma_start3A_269 = arith.constant 0 : i32
      %dma_start3A_270 = arith.constant 0 : i32
      %dma_start3A_271 = tpu.memref_slice %arg5[%run_scoped3A, %dma_start3A_269, %dma_start3A_270] : memref<2x160x128xi32, #tpu.memory_space<vmem>> -> memref<1x160x128xi32, #tpu.memory_space<vmem>>
      %dma_start3A_272 = tpu.memref_squeeze %dma_start3A_271 : memref<1x160x128xi32, #tpu.memory_space<vmem>> -> memref<160x128xi32, #tpu.memory_space<vmem>>
      %dma_start3A_273 = arith.constant 0 : i32
      %dma_start3A_274 = tpu.memref_slice %arg2[%mul3A_2, %dma_start3A_273] : memref<25600x128xi32, #tpu.memory_space<hbm>> -> memref<160x128xi32, #tpu.memory_space<hbm>>
      tpu.enqueue_dma source(%dma_start3A_274 : memref<160x128xi32, #tpu.memory_space<hbm>>) target(%dma_start3A_272 : memref<160x128xi32, #tpu.memory_space<vmem>>) target_semaphore(%run_scoped3A_262 : memref<!tpu.dma_semaphore, #tpu.memory_space<semaphore_mem>>)
      %dma_wait3A_275 = arith.constant 0 : i32
      %dma_wait3A_276 = arith.constant 0 : i32
      %dma_wait3A_277 = tpu.memref_slice %arg5[%run_scoped3A, %dma_wait3A_275, %dma_wait3A_276] : memref<2x160x128xi32, #tpu.memory_space<vmem>> -> memref<1x160x128xi32, #tpu.memory_space<vmem>>
      %dma_wait3A_278 = tpu.memref_squeeze %dma_wait3A_277 : memref<1x160x128xi32, #tpu.memory_space<vmem>> -> memref<160x128xi32, #tpu.memory_space<vmem>>
      %dma_wait3A_279 = arith.constant 0 : i32
      %dma_wait3A_280 = tpu.memref_slice %arg2[%mul3A_2, %dma_wait3A_279] : memref<25600x128xi32, #tpu.memory_space<hbm>> -> memref<160x128xi32, #tpu.memory_space<hbm>>
      %dma_wait3A_281 = arith.constant 0 : i32
      %dma_wait3A_282 = arith.constant 0 : i32
      %dma_wait3A_283 = tpu.memref_slice %arg5[%run_scoped3A, %dma_wait3A_281, %dma_wait3A_282] : memref<2x160x128xi32, #tpu.memory_space<vmem>> -> memref<1x160x128xi32, #tpu.memory_space<vmem>>
      %dma_wait3A_284 = tpu.memref_squeeze %dma_wait3A_283 : memref<1x160x128xi32, #tpu.memory_space<vmem>> -> memref<160x128xi32, #tpu.memory_space<vmem>>
      %dma_wait3A_285 = arith.constant 0 : i32
      %dma_wait3A_286 = tpu.memref_slice %arg2[%mul3A_2, %dma_wait3A_285] : memref<25600x128xi32, #tpu.memory_space<hbm>> -> memref<160x128xi32, #tpu.memory_space<hbm>>
      tpu.wait_dma2 semaphore(%run_scoped3A_262 : memref<!tpu.dma_semaphore, #tpu.memory_space<semaphore_mem>>) src(%dma_wait3A_286 : memref<160x128xi32, #tpu.memory_space<hbm>>) dst(%dma_wait3A_284 : memref<160x128xi32, #tpu.memory_space<vmem>>)
      tpu.yield
    }) : () -> ()
    %scan3A = arith.constant 0 : i32
    %scan3A_3 = arith.constant 0 : i32
    %scan3A_4 = arith.constant 160 : i32
    %scan3A_5 = arith.addi %scan3A_3, %scan3A_4 : i32
    %scan3A_6 = arith.constant 1 : i32
    scf.for %scan3A_262 = %scan3A_3 to %scan3A_5 step %scan3A_6  : i32 {
      %dma_start3A_263 = arith.constant 0 : i32
      %dma_start3A_264 = arith.constant 0 : i32
      %dma_start3A_265 = tpu.memref_slice %arg6[%scan3A_262, %dma_start3A_264] : memref<160x128xf32, #tpu.memory_space<vmem>> -> memref<1x128xf32, #tpu.memory_space<vmem>>
      %dma_start3A_266 = tpu.memref_squeeze %dma_start3A_265 : memref<1x128xf32, #tpu.memory_space<vmem>> -> memref<128xf32, #tpu.memory_space<vmem>>
      %dma_start3A_267 = arith.constant 0 : i32
      %dma_start3A_268 = tpu.memref_slice %arg5[%dma_start3A_263, %scan3A_262, %dma_start3A_267] : memref<2x160x128xi32, #tpu.memory_space<vmem>> -> memref<1x1x128xi32, #tpu.memory_space<vmem>>
      %dma_start3A_269 = tpu.memref_squeeze %dma_start3A_268 : memref<1x1x128xi32, #tpu.memory_space<vmem>> -> memref<128xi32, #tpu.memory_space<vmem>>
      %dma_start3A_270 = arith.constant 0 : i32
      %dma_start3A_271 = tpu.memref_slice %arg3[%dma_start3A_270] : memref<1000000xf32, #tpu.memory_space<hbm>> -> memref<1000000xf32, #tpu.memory_space<hbm>>
      tpu.enqueue_indirect_dma source(%dma_start3A_271 : memref<1000000xf32, #tpu.memory_space<hbm>>) target(%dma_start3A_266 : memref<128xf32, #tpu.memory_space<vmem>>) offsets(%dma_start3A_269 : memref<128xi32, #tpu.memory_space<vmem>>) semaphore(%arg10 : memref<!tpu.dma_semaphore, #tpu.memory_space<semaphore_mem>>)
    }
    %scan3A_7 = arith.constant 160 : i32
    %scan3A_8 = arith.constant 0 : i32
    %scan3A_9 = arith.constant 0 : i32
    %scan3A_10 = arith.constant 160 : i32
    %scan3A_11 = arith.addi %scan3A_9, %scan3A_10 : i32
    %scan3A_12 = arith.constant 1 : i32
    scf.for %scan3A_262 = %scan3A_9 to %scan3A_11 step %scan3A_12  : i32 {
      %dma_wait3A_263 = arith.constant 0 : i32
      %dma_wait3A_264 = arith.constant 0 : i32
      %dma_wait3A_265 = tpu.memref_slice %arg6[%scan3A_262, %dma_wait3A_264] : memref<160x128xf32, #tpu.memory_space<vmem>> -> memref<1x128xf32, #tpu.memory_space<vmem>>
      %dma_wait3A_266 = tpu.memref_squeeze %dma_wait3A_265 : memref<1x128xf32, #tpu.memory_space<vmem>> -> memref<128xf32, #tpu.memory_space<vmem>>
      %dma_wait3A_267 = arith.constant 0 : i32
      %dma_wait3A_268 = tpu.memref_slice %arg5[%dma_wait3A_263, %scan3A_262, %dma_wait3A_267] : memref<2x160x128xi32, #tpu.memory_space<vmem>> -> memref<1x1x128xi32, #tpu.memory_space<vmem>>
      %dma_wait3A_269 = tpu.memref_squeeze %dma_wait3A_268 : memref<1x1x128xi32, #tpu.memory_space<vmem>> -> memref<128xi32, #tpu.memory_space<vmem>>
      %dma_wait3A_270 = arith.constant 0 : i32
      %dma_wait3A_271 = tpu.memref_slice %arg3[%dma_wait3A_270] : memref<1000000xf32, #tpu.memory_space<hbm>> -> memref<1000000xf32, #tpu.memory_space<hbm>>
      tpu.wait_indirect_dma semaphore(%arg10 : memref<!tpu.dma_semaphore, #tpu.memory_space<semaphore_mem>>) src(%dma_wait3A_271 : memref<1000000xf32, #tpu.memory_space<hbm>>) dst(%dma_wait3A_266 : memref<128xf32, #tpu.memory_space<vmem>>)
    }
    %scan3A_13 = arith.constant 160 : i32
    %add3A_14 = arith.constant 160 : i32
    %add3A_15 = arith.addi %mul3A_2, %add3A_14 : i32
    %run_scoped3A_16 = arith.constant 1 : i32
    "tpu.region"() ({
      %run_scoped3A_262 = tpu.sem_alloc : memref<!tpu.dma_semaphore, #tpu.memory_space<semaphore_mem>>
      %dma_start3A_263 = arith.constant 0 : i32
      %dma_start3A_264 = arith.constant 0 : i32
      %dma_start3A_265 = tpu.memref_slice %arg5[%run_scoped3A_16, %dma_start3A_263, %dma_start3A_264] : memref<2x160x128xi32, #tpu.memory_space<vmem>> -> memref<1x160x128xi32, #tpu.memory_space<vmem>>
      %dma_start3A_266 = tpu.memref_squeeze %dma_start3A_265 : memref<1x160x128xi32, #tpu.memory_space<vmem>> -> memref<160x128xi32, #tpu.memory_space<vmem>>
      %dma_start3A_267 = arith.constant 0 : i32
      %dma_start3A_268 = tpu.memref_slice %arg2[%add3A_15, %dma_start3A_267] : memref<25600x128xi32, #tpu.memory_space<hbm>> -> memref<160x128xi32, #tpu.memory_space<hbm>>
      %dma_start3A_269 = arith.constant 0 : i32
      %dma_start3A_270 = arith.constant 0 : i32
      %dma_start3A_271 = tpu.memref_slice %arg5[%run_scoped3A_16, %dma_start3A_269, %dma_start3A_270] : memref<2x160x128xi32, #tpu.memory_space<vmem>> -> memref<1x160x128xi32, #tpu.memory_space<vmem>>
      %dma_start3A_272 = tpu.memref_squeeze %dma_start3A_271 : memref<1x160x128xi32, #tpu.memory_space<vmem>> -> memref<160x128xi32, #tpu.memory_space<vmem>>
      %dma_start3A_273 = arith.constant 0 : i32
      %dma_start3A_274 = tpu.memref_slice %arg2[%add3A_15, %dma_start3A_273] : memref<25600x128xi32, #tpu.memory_space<hbm>> -> memref<160x128xi32, #tpu.memory_space<hbm>>
      tpu.enqueue_dma source(%dma_start3A_274 : memref<160x128xi32, #tpu.memory_space<hbm>>) target(%dma_start3A_272 : memref<160x128xi32, #tpu.memory_space<vmem>>) target_semaphore(%run_scoped3A_262 : memref<!tpu.dma_semaphore, #tpu.memory_space<semaphore_mem>>)
      %dma_wait3A_275 = arith.constant 0 : i32
      %dma_wait3A_276 = arith.constant 0 : i32
      %dma_wait3A_277 = tpu.memref_slice %arg5[%run_scoped3A_16, %dma_wait3A_275, %dma_wait3A_276] : memref<2x160x128xi32, #tpu.memory_space<vmem>> -> memref<1x160x128xi32, #tpu.memory_space<vmem>>
      %dma_wait3A_278 = tpu.memref_squeeze %dma_wait3A_277 : memref<1x160x128xi32, #tpu.memory_space<vmem>> -> memref<160x128xi32, #tpu.memory_space<vmem>>
      %dma_wait3A_279 = arith.constant 0 : i32
      %dma_wait3A_280 = tpu.memref_slice %arg2[%add3A_15, %dma_wait3A_279] : memref<25600x128xi32, #tpu.memory_space<hbm>> -> memref<160x128xi32, #tpu.memory_space<hbm>>
      %dma_wait3A_281 = arith.constant 0 : i32
      %dma_wait3A_282 = arith.constant 0 : i32
      %dma_wait3A_283 = tpu.memref_slice %arg5[%run_scoped3A_16, %dma_wait3A_281, %dma_wait3A_282] : memref<2x160x128xi32, #tpu.memory_space<vmem>> -> memref<1x160x128xi32, #tpu.memory_space<vmem>>
      %dma_wait3A_284 = tpu.memref_squeeze %dma_wait3A_283 : memref<1x160x128xi32, #tpu.memory_space<vmem>> -> memref<160x128xi32, #tpu.memory_space<vmem>>
      %dma_wait3A_285 = arith.constant 0 : i32
      %dma_wait3A_286 = tpu.memref_slice %arg2[%add3A_15, %dma_wait3A_285] : memref<25600x128xi32, #tpu.memory_space<hbm>> -> memref<160x128xi32, #tpu.memory_space<hbm>>
      tpu.wait_dma2 semaphore(%run_scoped3A_262 : memref<!tpu.dma_semaphore, #tpu.memory_space<semaphore_mem>>) src(%dma_wait3A_286 : memref<160x128xi32, #tpu.memory_space<hbm>>) dst(%dma_wait3A_284 : memref<160x128xi32, #tpu.memory_space<vmem>>)
      tpu.yield
    }) : () -> ()
    %scan3A_17 = arith.constant 0 : i32
    %scan3A_18 = arith.constant 0 : i32
    %scan3A_19 = arith.constant 160 : i32
    %scan3A_20 = arith.addi %scan3A_18, %scan3A_19 : i32
    %scan3A_21 = arith.constant 1 : i32
    scf.for %scan3A_262 = %scan3A_18 to %scan3A_20 step %scan3A_21  : i32 {
      %dma_start3A_263 = arith.constant 1 : i32
      %dma_start3A_264 = arith.constant 0 : i32
      %dma_start3A_265 = tpu.memref_slice %arg8[%scan3A_262, %dma_start3A_264] : memref<160x128xf32, #tpu.memory_space<vmem>> -> memref<1x128xf32, #tpu.memory_space<vmem>>
      %dma_start3A_266 = tpu.memref_squeeze %dma_start3A_265 : memref<1x128xf32, #tpu.memory_space<vmem>> -> memref<128xf32, #tpu.memory_space<vmem>>
      %dma_start3A_267 = arith.constant 0 : i32
      %dma_start3A_268 = tpu.memref_slice %arg5[%dma_start3A_263, %scan3A_262, %dma_start3A_267] : memref<2x160x128xi32, #tpu.memory_space<vmem>> -> memref<1x1x128xi32, #tpu.memory_space<vmem>>
      %dma_start3A_269 = tpu.memref_squeeze %dma_start3A_268 : memref<1x1x128xi32, #tpu.memory_space<vmem>> -> memref<128xi32, #tpu.memory_space<vmem>>
      %dma_start3A_270 = arith.constant 0 : i32
      %dma_start3A_271 = tpu.memref_slice %arg3[%dma_start3A_270] : memref<1000000xf32, #tpu.memory_space<hbm>> -> memref<1000000xf32, #tpu.memory_space<hbm>>
      tpu.enqueue_indirect_dma source(%dma_start3A_271 : memref<1000000xf32, #tpu.memory_space<hbm>>) target(%dma_start3A_266 : memref<128xf32, #tpu.memory_space<vmem>>) offsets(%dma_start3A_269 : memref<128xi32, #tpu.memory_space<vmem>>) semaphore(%arg10 : memref<!tpu.dma_semaphore, #tpu.memory_space<semaphore_mem>>)
    }
    %scan3A_22 = arith.constant 160 : i32
    %scan3A_23 = arith.constant 0 : i32
    %scan3A_24 = arith.constant 0 : i32
    %scan3A_25 = arith.constant 1280 : i32
    %scan3A_26 = arith.addi %scan3A_24, %scan3A_25 : i32
    %scan3A_27 = arith.constant 1 : i32
    scf.for %scan3A_262 = %scan3A_24 to %scan3A_26 step %scan3A_27  : i32 {
      %shift_right_arithmetic3A = arith.constant 3 : i32
      %shift_right_arithmetic3A_263 = arith.shrsi %scan3A_262, %shift_right_arithmetic3A : i32
      %and3A = arith.constant 7 : i32
      %and3A_264 = arith.andi %scan3A_262, %and3A : i32
      %mul3A_265 = arith.constant 16 : i32
      %mul3A_266 = arith.muli %and3A_264, %mul3A_265 : i32
      %get3A = arith.index_cast %shift_right_arithmetic3A_263 : i32 to index
      %get3A_267 = arith.index_cast %mul3A_266 : i32 to index
      %get3A_268 = tpu.vector_load %arg6[%get3A, %get3A_267] {strides = array<i32>} : memref<160x128xf32, #tpu.memory_space<vmem>>, vector<1x16xf32>,
      %get3A_269 = vector.shape_cast %get3A_268 : vector<1x16xf32> to vector<16xf32>
      %sub3A = arith.constant 1.000000e+00 : f32
      %sub3A_270 = vector.broadcast %sub3A : f32 to vector<16xf32>
      %sub3A_271 = arith.subf %sub3A_270, %get3A_269 : vector<16xf32>
      %swap3A = arith.index_cast %shift_right_arithmetic3A_263 : i32 to index
      %swap3A_272 = arith.index_cast %mul3A_266 : i32 to index
      %swap3A_273 = tpu.vector_load %arg7[%swap3A, %swap3A_272] {strides = array<i32>} : memref<160x128xf32, #tpu.memory_space<vmem>>, vector<1x16xf32>,
      %swap3A_274 = vector.shape_cast %swap3A_273 : vector<1x16xf32> to vector<16xf32>
      %swap3A_275 = vector.shape_cast %sub3A_271 : vector<16xf32> to vector<1x16xf32>
      tpu.vector_store %arg7[%swap3A, %swap3A_272], %swap3A_275 {strides = array<i32>} : memref<160x128xf32, #tpu.memory_space<vmem>>, vector<1x16xf32>,
    }
    %scan3A_28 = arith.constant 1280 : i32
    %add3A_29 = arith.constant 0 : i32
    %add3A_30 = arith.addi %mul3A_2, %add3A_29 : i32
    %dma_start3A = arith.constant 0 : i32
    %dma_start3A_31 = arith.constant 0 : i32
    %dma_start3A_32 = tpu.memref_slice %arg4[%add3A_30, %dma_start3A, %dma_start3A_31] : memref<25600x2x128xf32, #tpu.memory_space<hbm>> -> memref<160x1x128xf32, #tpu.memory_space<hbm>>
    %dma_start3A_33 = tpu.memref_squeeze %dma_start3A_32 : memref<160x1x128xf32, #tpu.memory_space<hbm>> -> memref<160x128xf32, #tpu.memory_space<hbm>>
    %dma_start3A_34 = arith.constant 0 : i32
    %dma_start3A_35 = tpu.memref_slice %arg4[%add3A_30, %dma_start3A, %dma_start3A_34] : memref<25600x2x128xf32, #tpu.memory_space<hbm>> -> memref<160x1x128xf32, #tpu.memory_space<hbm>>
    %dma_start3A_36 = tpu.memref_squeeze %dma_start3A_35 : memref<160x1x128xf32, #tpu.memory_space<hbm>> -> memref<160x128xf32, #tpu.memory_space<hbm>>
    tpu.enqueue_dma source(%arg6 : memref<160x128xf32, #tpu.memory_space<vmem>>) target(%dma_start3A_36 : memref<160x128xf32, #tpu.memory_space<hbm>>) target_semaphore(%arg11 : memref<!tpu.dma_semaphore, #tpu.memory_space<semaphore_mem>>)
    %dma_start3A_37 = arith.constant 1 : i32
    %dma_start3A_38 = arith.constant 0 : i32
    %dma_start3A_39 = tpu.memref_slice %arg4[%add3A_30, %dma_start3A_37, %dma_start3A_38] : memref<25600x2x128xf32, #tpu.memory_space<hbm>> -> memref<160x1x128xf32, #tpu.memory_space<hbm>>
    %dma_start3A_40 = tpu.memref_squeeze %dma_start3A_39 : memref<160x1x128xf32, #tpu.memory_space<hbm>> -> memref<160x128xf32, #tpu.memory_space<hbm>>
    %dma_start3A_41 = arith.constant 0 : i32
    %dma_start3A_42 = tpu.memref_slice %arg4[%add3A_30, %dma_start3A_37, %dma_start3A_41] : memref<25600x2x128xf32, #tpu.memory_space<hbm>> -> memref<160x1x128xf32, #tpu.memory_space<hbm>>
    %dma_start3A_43 = tpu.memref_squeeze %dma_start3A_42 : memref<160x1x128xf32, #tpu.memory_space<hbm>> -> memref<160x128xf32, #tpu.memory_space<hbm>>
    tpu.enqueue_dma source(%arg7 : memref<160x128xf32, #tpu.memory_space<vmem>>) target(%dma_start3A_43 : memref<160x128xf32, #tpu.memory_space<hbm>>) target_semaphore(%arg11 : memref<!tpu.dma_semaphore, #tpu.memory_space<semaphore_mem>>)
    %scan3A_44 = arith.constant 0 : i32
    %scan3A_45 = arith.constant 0 : i32
    %scan3A_46 = arith.constant 160 : i32
    %scan3A_47 = arith.addi %scan3A_45, %scan3A_46 : i32
    %scan3A_48 = arith.constant 1 : i32
    scf.for %scan3A_262 = %scan3A_45 to %scan3A_47 step %scan3A_48  : i32 {
      %dma_wait3A_263 = arith.constant 1 : i32
      %dma_wait3A_264 = arith.constant 0 : i32
      %dma_wait3A_265 = tpu.memref_slice %arg8[%scan3A_262, %dma_wait3A_264] : memref<160x128xf32, #tpu.memory_space<vmem>> -> memref<1x128xf32, #tpu.memory_space<vmem>>
      %dma_wait3A_266 = tpu.memref_squeeze %dma_wait3A_265 : memref<1x128xf32, #tpu.memory_space<vmem>> -> memref<128xf32, #tpu.memory_space<vmem>>
      %dma_wait3A_267 = arith.constant 0 : i32
      %dma_wait3A_268 = tpu.memref_slice %arg5[%dma_wait3A_263, %scan3A_262, %dma_wait3A_267] : memref<2x160x128xi32, #tpu.memory_space<vmem>> -> memref<1x1x128xi32, #tpu.memory_space<vmem>>
      %dma_wait3A_269 = tpu.memref_squeeze %dma_wait3A_268 : memref<1x1x128xi32, #tpu.memory_space<vmem>> -> memref<128xi32, #tpu.memory_space<vmem>>
      %dma_wait3A_270 = arith.constant 0 : i32
      %dma_wait3A_271 = tpu.memref_slice %arg3[%dma_wait3A_270] : memref<1000000xf32, #tpu.memory_space<hbm>> -> memref<1000000xf32, #tpu.memory_space<hbm>>
      tpu.wait_indirect_dma semaphore(%arg10 : memref<!tpu.dma_semaphore, #tpu.memory_space<semaphore_mem>>) src(%dma_wait3A_271 : memref<1000000xf32, #tpu.memory_space<hbm>>) dst(%dma_wait3A_266 : memref<128xf32, #tpu.memory_space<vmem>>)
    }
    %scan3A_49 = arith.constant 160 : i32
    %add3A_50 = arith.constant 320 : i32
    %add3A_51 = arith.addi %mul3A_2, %add3A_50 : i32
    %run_scoped3A_52 = arith.constant 0 : i32
    "tpu.region"() ({
      %run_scoped3A_262 = tpu.sem_alloc : memref<!tpu.dma_semaphore, #tpu.memory_space<semaphore_mem>>
      %dma_start3A_263 = arith.constant 0 : i32
      %dma_start3A_264 = arith.constant 0 : i32
      %dma_start3A_265 = tpu.memref_slice %arg5[%run_scoped3A_52, %dma_start3A_263, %dma_start3A_264] : memref<2x160x128xi32, #tpu.memory_space<vmem>> -> memref<1x160x128xi32, #tpu.memory_space<vmem>>
      %dma_start3A_266 = tpu.memref_squeeze %dma_start3A_265 : memref<1x160x128xi32, #tpu.memory_space<vmem>> -> memref<160x128xi32, #tpu.memory_space<vmem>>
      %dma_start3A_267 = arith.constant 0 : i32
      %dma_start3A_268 = tpu.memref_slice %arg2[%add3A_51, %dma_start3A_267] : memref<25600x128xi32, #tpu.memory_space<hbm>> -> memref<160x128xi32, #tpu.memory_space<hbm>>
      %dma_start3A_269 = arith.constant 0 : i32
      %dma_start3A_270 = arith.constant 0 : i32
      %dma_start3A_271 = tpu.memref_slice %arg5[%run_scoped3A_52, %dma_start3A_269, %dma_start3A_270] : memref<2x160x128xi32, #tpu.memory_space<vmem>> -> memref<1x160x128xi32, #tpu.memory_space<vmem>>
      %dma_start3A_272 = tpu.memref_squeeze %dma_start3A_271 : memref<1x160x128xi32, #tpu.memory_space<vmem>> -> memref<160x128xi32, #tpu.memory_space<vmem>>
      %dma_start3A_273 = arith.constant 0 : i32
      %dma_start3A_274 = tpu.memref_slice %arg2[%add3A_51, %dma_start3A_273] : memref<25600x128xi32, #tpu.memory_space<hbm>> -> memref<160x128xi32, #tpu.memory_space<hbm>>
      tpu.enqueue_dma source(%dma_start3A_274 : memref<160x128xi32, #tpu.memory_space<hbm>>) target(%dma_start3A_272 : memref<160x128xi32, #tpu.memory_space<vmem>>) target_semaphore(%run_scoped3A_262 : memref<!tpu.dma_semaphore, #tpu.memory_space<semaphore_mem>>)
      %dma_wait3A_275 = arith.constant 0 : i32
      %dma_wait3A_276 = arith.constant 0 : i32
      %dma_wait3A_277 = tpu.memref_slice %arg5[%run_scoped3A_52, %dma_wait3A_275, %dma_wait3A_276] : memref<2x160x128xi32, #tpu.memory_space<vmem>> -> memref<1x160x128xi32, #tpu.memory_space<vmem>>
      %dma_wait3A_278 = tpu.memref_squeeze %dma_wait3A_277 : memref<1x160x128xi32, #tpu.memory_space<vmem>> -> memref<160x128xi32, #tpu.memory_space<vmem>>
      %dma_wait3A_279 = arith.constant 0 : i32
      %dma_wait3A_280 = tpu.memref_slice %arg2[%add3A_51, %dma_wait3A_279] : memref<25600x128xi32, #tpu.memory_space<hbm>> -> memref<160x128xi32, #tpu.memory_space<hbm>>
      %dma_wait3A_281 = arith.constant 0 : i32
      %dma_wait3A_282 = arith.constant 0 : i32
      %dma_wait3A_283 = tpu.memref_slice %arg5[%run_scoped3A_52, %dma_wait3A_281, %dma_wait3A_282] : memref<2x160x128xi32, #tpu.memory_space<vmem>> -> memref<1x160x128xi32, #tpu.memory_space<vmem>>
      %dma_wait3A_284 = tpu.memref_squeeze %dma_wait3A_283 : memref<1x160x128xi32, #tpu.memory_space<vmem>> -> memref<160x128xi32, #tpu.memory_space<vmem>>
      %dma_wait3A_285 = arith.constant 0 : i32
      %dma_wait3A_286 = tpu.memref_slice %arg2[%add3A_51, %dma_wait3A_285] : memref<25600x128xi32, #tpu.memory_space<hbm>> -> memref<160x128xi32, #tpu.memory_space<hbm>>
      tpu.wait_dma2 semaphore(%run_scoped3A_262 : memref<!tpu.dma_semaphore, #tpu.memory_space<semaphore_mem>>) src(%dma_wait3A_286 : memref<160x128xi32, #tpu.memory_space<hbm>>) dst(%dma_wait3A_284 : memref<160x128xi32, #tpu.memory_space<vmem>>)
      tpu.yield
    }) : () -> ()
    %add3A_53 = arith.constant 0 : i32
    %add3A_54 = arith.addi %mul3A_2, %add3A_53 : i32
    %dma_wait3A = arith.constant 0 : i32
    %dma_wait3A_55 = arith.constant 0 : i32
    %dma_wait3A_56 = tpu.memref_slice %arg4[%add3A_54, %dma_wait3A, %dma_wait3A_55] : memref<25600x2x128xf32, #tpu.memory_space<hbm>> -> memref<160x1x128xf32, #tpu.memory_space<hbm>>
    %dma_wait3A_57 = tpu.memref_squeeze %dma_wait3A_56 : memref<160x1x128xf32, #tpu.memory_space<hbm>> -> memref<160x128xf32, #tpu.memory_space<hbm>>
    %dma_wait3A_58 = arith.constant 0 : i32
    %dma_wait3A_59 = tpu.memref_slice %arg4[%add3A_54, %dma_wait3A, %dma_wait3A_58] : memref<25600x2x128xf32, #tpu.memory_space<hbm>> -> memref<160x1x128xf32, #tpu.memory_space<hbm>>
    %dma_wait3A_60 = tpu.memref_squeeze %dma_wait3A_59 : memref<160x1x128xf32, #tpu.memory_space<hbm>> -> memref<160x128xf32, #tpu.memory_space<hbm>>
    tpu.wait_dma2 semaphore(%arg11 : memref<!tpu.dma_semaphore, #tpu.memory_space<semaphore_mem>>) src(%arg6 : memref<160x128xf32, #tpu.memory_space<vmem>>) dst(%dma_wait3A_60 : memref<160x128xf32, #tpu.memory_space<hbm>>)
    %dma_wait3A_61 = arith.constant 1 : i32
    %dma_wait3A_62 = arith.constant 0 : i32
    %dma_wait3A_63 = tpu.memref_slice %arg4[%add3A_54, %dma_wait3A_61, %dma_wait3A_62] : memref<25600x2x128xf32, #tpu.memory_space<hbm>> -> memref<160x1x128xf32, #tpu.memory_space<hbm>>
    %dma_wait3A_64 = tpu.memref_squeeze %dma_wait3A_63 : memref<160x1x128xf32, #tpu.memory_space<hbm>> -> memref<160x128xf32, #tpu.memory_space<hbm>>
    %dma_wait3A_65 = arith.constant 0 : i32
    %dma_wait3A_66 = tpu.memref_slice %arg4[%add3A_54, %dma_wait3A_61, %dma_wait3A_65] : memref<25600x2x128xf32, #tpu.memory_space<hbm>> -> memref<160x1x128xf32, #tpu.memory_space<hbm>>
    %dma_wait3A_67 = tpu.memref_squeeze %dma_wait3A_66 : memref<160x1x128xf32, #tpu.memory_space<hbm>> -> memref<160x128xf32, #tpu.memory_space<hbm>>
    tpu.wait_dma2 semaphore(%arg11 : memref<!tpu.dma_semaphore, #tpu.memory_space<semaphore_mem>>) src(%arg7 : memref<160x128xf32, #tpu.memory_space<vmem>>) dst(%dma_wait3A_67 : memref<160x128xf32, #tpu.memory_space<hbm>>)
    %scan3A_68 = arith.constant 0 : i32
    %scan3A_69 = arith.constant 0 : i32
    %scan3A_70 = arith.constant 160 : i32
    %scan3A_71 = arith.addi %scan3A_69, %scan3A_70 : i32
    %scan3A_72 = arith.constant 1 : i32
    scf.for %scan3A_262 = %scan3A_69 to %scan3A_71 step %scan3A_72  : i32 {
      %dma_start3A_263 = arith.constant 0 : i32
      %dma_start3A_264 = arith.constant 0 : i32
      %dma_start3A_265 = tpu.memref_slice %arg6[%scan3A_262, %dma_start3A_264] : memref<160x128xf32, #tpu.memory_space<vmem>> -> memref<1x128xf32, #tpu.memory_space<vmem>>
      %dma_start3A_266 = tpu.memref_squeeze %dma_start3A_265 : memref<1x128xf32, #tpu.memory_space<vmem>> -> memref<128xf32, #tpu.memory_space<vmem>>
      %dma_start3A_267 = arith.constant 0 : i32
      %dma_start3A_268 = tpu.memref_slice %arg5[%dma_start3A_263, %scan3A_262, %dma_start3A_267] : memref<2x160x128xi32, #tpu.memory_space<vmem>> -> memref<1x1x128xi32, #tpu.memory_space<vmem>>
      %dma_start3A_269 = tpu.memref_squeeze %dma_start3A_268 : memref<1x1x128xi32, #tpu.memory_space<vmem>> -> memref<128xi32, #tpu.memory_space<vmem>>
      %dma_start3A_270 = arith.constant 0 : i32
      %dma_start3A_271 = tpu.memref_slice %arg3[%dma_start3A_270] : memref<1000000xf32, #tpu.memory_space<hbm>> -> memref<1000000xf32, #tpu.memory_space<hbm>>
      tpu.enqueue_indirect_dma source(%dma_start3A_271 : memref<1000000xf32, #tpu.memory_space<hbm>>) target(%dma_start3A_266 : memref<128xf32, #tpu.memory_space<vmem>>) offsets(%dma_start3A_269 : memref<128xi32, #tpu.memory_space<vmem>>) semaphore(%arg10 : memref<!tpu.dma_semaphore, #tpu.memory_space<semaphore_mem>>)
    }
    %scan3A_73 = arith.constant 160 : i32
    %scan3A_74 = arith.constant 0 : i32
    %scan3A_75 = arith.constant 0 : i32
    %scan3A_76 = arith.constant 1280 : i32
    %scan3A_77 = arith.addi %scan3A_75, %scan3A_76 : i32
    %scan3A_78 = arith.constant 1 : i32
    scf.for %scan3A_262 = %scan3A_75 to %scan3A_77 step %scan3A_78  : i32 {
      %shift_right_arithmetic3A = arith.constant 3 : i32
      %shift_right_arithmetic3A_263 = arith.shrsi %scan3A_262, %shift_right_arithmetic3A : i32
      %and3A = arith.constant 7 : i32
      %and3A_264 = arith.andi %scan3A_262, %and3A : i32
      %mul3A_265 = arith.constant 16 : i32
      %mul3A_266 = arith.muli %and3A_264, %mul3A_265 : i32
      %get3A = arith.index_cast %shift_right_arithmetic3A_263 : i32 to index
      %get3A_267 = arith.index_cast %mul3A_266 : i32 to index
      %get3A_268 = tpu.vector_load %arg8[%get3A, %get3A_267] {strides = array<i32>} : memref<160x128xf32, #tpu.memory_space<vmem>>, vector<1x16xf32>,
      %get3A_269 = vector.shape_cast %get3A_268 : vector<1x16xf32> to vector<16xf32>
      %sub3A = arith.constant 1.000000e+00 : f32
      %sub3A_270 = vector.broadcast %sub3A : f32 to vector<16xf32>
      %sub3A_271 = arith.subf %sub3A_270, %get3A_269 : vector<16xf32>
      %swap3A = arith.index_cast %shift_right_arithmetic3A_263 : i32 to index
      %swap3A_272 = arith.index_cast %mul3A_266 : i32 to index
      %swap3A_273 = tpu.vector_load %arg9[%swap3A, %swap3A_272] {strides = array<i32>} : memref<160x128xf32, #tpu.memory_space<vmem>>, vector<1x16xf32>,
      %swap3A_274 = vector.shape_cast %swap3A_273 : vector<1x16xf32> to vector<16xf32>
      %swap3A_275 = vector.shape_cast %sub3A_271 : vector<16xf32> to vector<1x16xf32>
      tpu.vector_store %arg9[%swap3A, %swap3A_272], %swap3A_275 {strides = array<i32>} : memref<160x128xf32, #tpu.memory_space<vmem>>, vector<1x16xf32>,
    }
    %scan3A_79 = arith.constant 1280 : i32
    %add3A_80 = arith.constant 160 : i32
    %add3A_81 = arith.addi %mul3A_2, %add3A_80 : i32
    %dma_start3A_82 = arith.constant 0 : i32
    %dma_start3A_83 = arith.constant 0 : i32
    %dma_start3A_84 = tpu.memref_slice %arg4[%add3A_81, %dma_start3A_82, %dma_start3A_83] : memref<25600x2x128xf32, #tpu.memory_space<hbm>> -> memref<160x1x128xf32, #tpu.memory_space<hbm>>
    %dma_start3A_85 = tpu.memref_squeeze %dma_start3A_84 : memref<160x1x128xf32, #tpu.memory_space<hbm>> -> memref<160x128xf32, #tpu.memory_space<hbm>>
    %dma_start3A_86 = arith.constant 0 : i32
    %dma_start3A_87 = tpu.memref_slice %arg4[%add3A_81, %dma_start3A_82, %dma_start3A_86] : memref<25600x2x128xf32, #tpu.memory_space<hbm>> -> memref<160x1x128xf32, #tpu.memory_space<hbm>>
    %dma_start3A_88 = tpu.memref_squeeze %dma_start3A_87 : memref<160x1x128xf32, #tpu.memory_space<hbm>> -> memref<160x128xf32, #tpu.memory_space<hbm>>
    tpu.enqueue_dma source(%arg8 : memref<160x128xf32, #tpu.memory_space<vmem>>) target(%dma_start3A_88 : memref<160x128xf32, #tpu.memory_space<hbm>>) target_semaphore(%arg12 : memref<!tpu.dma_semaphore, #tpu.memory_space<semaphore_mem>>)
    %dma_start3A_89 = arith.constant 1 : i32
    %dma_start3A_90 = arith.constant 0 : i32
    %dma_start3A_91 = tpu.memref_slice %arg4[%add3A_81, %dma_start3A_89, %dma_start3A_90] : memref<25600x2x128xf32, #tpu.memory_space<hbm>> -> memref<160x1x128xf32, #tpu.memory_space<hbm>>
    %dma_start3A_92 = tpu.memref_squeeze %dma_start3A_91 : memref<160x1x128xf32, #tpu.memory_space<hbm>> -> memref<160x128xf32, #tpu.memory_space<hbm>>
    %dma_start3A_93 = arith.constant 0 : i32
    %dma_start3A_94 = tpu.memref_slice %arg4[%add3A_81, %dma_start3A_89, %dma_start3A_93] : memref<25600x2x128xf32, #tpu.memory_space<hbm>> -> memref<160x1x128xf32, #tpu.memory_space<hbm>>
    %dma_start3A_95 = tpu.memref_squeeze %dma_start3A_94 : memref<160x1x128xf32, #tpu.memory_space<hbm>> -> memref<160x128xf32, #tpu.memory_space<hbm>>
    tpu.enqueue_dma source(%arg9 : memref<160x128xf32, #tpu.memory_space<vmem>>) target(%dma_start3A_95 : memref<160x128xf32, #tpu.memory_space<hbm>>) target_semaphore(%arg12 : memref<!tpu.dma_semaphore, #tpu.memory_space<semaphore_mem>>)
    %scan3A_96 = arith.constant 0 : i32
    %scan3A_97 = arith.constant 0 : i32
    %scan3A_98 = arith.constant 160 : i32
    %scan3A_99 = arith.addi %scan3A_97, %scan3A_98 : i32
    %scan3A_100 = arith.constant 1 : i32
    scf.for %scan3A_262 = %scan3A_97 to %scan3A_99 step %scan3A_100  : i32 {
      %dma_wait3A_263 = arith.constant 0 : i32
      %dma_wait3A_264 = arith.constant 0 : i32
      %dma_wait3A_265 = tpu.memref_slice %arg6[%scan3A_262, %dma_wait3A_264] : memref<160x128xf32, #tpu.memory_space<vmem>> -> memref<1x128xf32, #tpu.memory_space<vmem>>
      %dma_wait3A_266 = tpu.memref_squeeze %dma_wait3A_265 : memref<1x128xf32, #tpu.memory_space<vmem>> -> memref<128xf32, #tpu.memory_space<vmem>>
      %dma_wait3A_267 = arith.constant 0 : i32
      %dma_wait3A_268 = tpu.memref_slice %arg5[%dma_wait3A_263, %scan3A_262, %dma_wait3A_267] : memref<2x160x128xi32, #tpu.memory_space<vmem>> -> memref<1x1x128xi32, #tpu.memory_space<vmem>>
      %dma_wait3A_269 = tpu.memref_squeeze %dma_wait3A_268 : memref<1x1x128xi32, #tpu.memory_space<vmem>> -> memref<128xi32, #tpu.memory_space<vmem>>
      %dma_wait3A_270 = arith.constant 0 : i32
      %dma_wait3A_271 = tpu.memref_slice %arg3[%dma_wait3A_270] : memref<1000000xf32, #tpu.memory_space<hbm>> -> memref<1000000xf32, #tpu.memory_space<hbm>>
      tpu.wait_indirect_dma semaphore(%arg10 : memref<!tpu.dma_semaphore, #tpu.memory_space<semaphore_mem>>) src(%dma_wait3A_271 : memref<1000000xf32, #tpu.memory_space<hbm>>) dst(%dma_wait3A_266 : memref<128xf32, #tpu.memory_space<vmem>>)
    }
    %scan3A_101 = arith.constant 160 : i32
    %add3A_102 = arith.constant 480 : i32
    %add3A_103 = arith.addi %mul3A_2, %add3A_102 : i32
    %run_scoped3A_104 = arith.constant 1 : i32
    "tpu.region"() ({
      %run_scoped3A_262 = tpu.sem_alloc : memref<!tpu.dma_semaphore, #tpu.memory_space<semaphore_mem>>
      %dma_start3A_263 = arith.constant 0 : i32
      %dma_start3A_264 = arith.constant 0 : i32
      %dma_start3A_265 = tpu.memref_slice %arg5[%run_scoped3A_104, %dma_start3A_263, %dma_start3A_264] : memref<2x160x128xi32, #tpu.memory_space<vmem>> -> memref<1x160x128xi32, #tpu.memory_space<vmem>>
      %dma_start3A_266 = tpu.memref_squeeze %dma_start3A_265 : memref<1x160x128xi32, #tpu.memory_space<vmem>> -> memref<160x128xi32, #tpu.memory_space<vmem>>
      %dma_start3A_267 = arith.constant 0 : i32
      %dma_start3A_268 = tpu.memref_slice %arg2[%add3A_103, %dma_start3A_267] : memref<25600x128xi32, #tpu.memory_space<hbm>> -> memref<160x128xi32, #tpu.memory_space<hbm>>
      %dma_start3A_269 = arith.constant 0 : i32
      %dma_start3A_270 = arith.constant 0 : i32
      %dma_start3A_271 = tpu.memref_slice %arg5[%run_scoped3A_104, %dma_start3A_269, %dma_start3A_270] : memref<2x160x128xi32, #tpu.memory_space<vmem>> -> memref<1x160x128xi32, #tpu.memory_space<vmem>>
      %dma_start3A_272 = tpu.memref_squeeze %dma_start3A_271 : memref<1x160x128xi32, #tpu.memory_space<vmem>> -> memref<160x128xi32, #tpu.memory_space<vmem>>
      %dma_start3A_273 = arith.constant 0 : i32
      %dma_start3A_274 = tpu.memref_slice %arg2[%add3A_103, %dma_start3A_273] : memref<25600x128xi32, #tpu.memory_space<hbm>> -> memref<160x128xi32, #tpu.memory_space<hbm>>
      tpu.enqueue_dma source(%dma_start3A_274 : memref<160x128xi32, #tpu.memory_space<hbm>>) target(%dma_start3A_272 : memref<160x128xi32, #tpu.memory_space<vmem>>) target_semaphore(%run_scoped3A_262 : memref<!tpu.dma_semaphore, #tpu.memory_space<semaphore_mem>>)
      %dma_wait3A_275 = arith.constant 0 : i32
      %dma_wait3A_276 = arith.constant 0 : i32
      %dma_wait3A_277 = tpu.memref_slice %arg5[%run_scoped3A_104, %dma_wait3A_275, %dma_wait3A_276] : memref<2x160x128xi32, #tpu.memory_space<vmem>> -> memref<1x160x128xi32, #tpu.memory_space<vmem>>
      %dma_wait3A_278 = tpu.memref_squeeze %dma_wait3A_277 : memref<1x160x128xi32, #tpu.memory_space<vmem>> -> memref<160x128xi32, #tpu.memory_space<vmem>>
      %dma_wait3A_279 = arith.constant 0 : i32
      %dma_wait3A_280 = tpu.memref_slice %arg2[%add3A_103, %dma_wait3A_279] : memref<25600x128xi32, #tpu.memory_space<hbm>> -> memref<160x128xi32, #tpu.memory_space<hbm>>
      %dma_wait3A_281 = arith.constant 0 : i32
      %dma_wait3A_282 = arith.constant 0 : i32
      %dma_wait3A_283 = tpu.memref_slice %arg5[%run_scoped3A_104, %dma_wait3A_281, %dma_wait3A_282] : memref<2x160x128xi32, #tpu.memory_space<vmem>> -> memref<1x160x128xi32, #tpu.memory_space<vmem>>
      %dma_wait3A_284 = tpu.memref_squeeze %dma_wait3A_283 : memref<1x160x128xi32, #tpu.memory_space<vmem>> -> memref<160x128xi32, #tpu.memory_space<vmem>>
      %dma_wait3A_285 = arith.constant 0 : i32
      %dma_wait3A_286 = tpu.memref_slice %arg2[%add3A_103, %dma_wait3A_285] : memref<25600x128xi32, #tpu.memory_space<hbm>> -> memref<160x128xi32, #tpu.memory_space<hbm>>
      tpu.wait_dma2 semaphore(%run_scoped3A_262 : memref<!tpu.dma_semaphore, #tpu.memory_space<semaphore_mem>>) src(%dma_wait3A_286 : memref<160x128xi32, #tpu.memory_space<hbm>>) dst(%dma_wait3A_284 : memref<160x128xi32, #tpu.memory_space<vmem>>)
      tpu.yield
    }) : () -> ()
    %add3A_105 = arith.constant 160 : i32
    %add3A_106 = arith.addi %mul3A_2, %add3A_105 : i32
    %dma_wait3A_107 = arith.constant 0 : i32
    %dma_wait3A_108 = arith.constant 0 : i32
    %dma_wait3A_109 = tpu.memref_slice %arg4[%add3A_106, %dma_wait3A_107, %dma_wait3A_108] : memref<25600x2x128xf32, #tpu.memory_space<hbm>> -> memref<160x1x128xf32, #tpu.memory_space<hbm>>
    %dma_wait3A_110 = tpu.memref_squeeze %dma_wait3A_109 : memref<160x1x128xf32, #tpu.memory_space<hbm>> -> memref<160x128xf32, #tpu.memory_space<hbm>>
    %dma_wait3A_111 = arith.constant 0 : i32
    %dma_wait3A_112 = tpu.memref_slice %arg4[%add3A_106, %dma_wait3A_107, %dma_wait3A_111] : memref<25600x2x128xf32, #tpu.memory_space<hbm>> -> memref<160x1x128xf32, #tpu.memory_space<hbm>>
    %dma_wait3A_113 = tpu.memref_squeeze %dma_wait3A_112 : memref<160x1x128xf32, #tpu.memory_space<hbm>> -> memref<160x128xf32, #tpu.memory_space<hbm>>
    tpu.wait_dma2 semaphore(%arg12 : memref<!tpu.dma_semaphore, #tpu.memory_space<semaphore_mem>>) src(%arg8 : memref<160x128xf32, #tpu.memory_space<vmem>>) dst(%dma_wait3A_113 : memref<160x128xf32, #tpu.memory_space<hbm>>)
    %dma_wait3A_114 = arith.constant 1 : i32
    %dma_wait3A_115 = arith.constant 0 : i32
    %dma_wait3A_116 = tpu.memref_slice %arg4[%add3A_106, %dma_wait3A_114, %dma_wait3A_115] : memref<25600x2x128xf32, #tpu.memory_space<hbm>> -> memref<160x1x128xf32, #tpu.memory_space<hbm>>
    %dma_wait3A_117 = tpu.memref_squeeze %dma_wait3A_116 : memref<160x1x128xf32, #tpu.memory_space<hbm>> -> memref<160x128xf32, #tpu.memory_space<hbm>>
    %dma_wait3A_118 = arith.constant 0 : i32
    %dma_wait3A_119 = tpu.memref_slice %arg4[%add3A_106, %dma_wait3A_114, %dma_wait3A_118] : memref<25600x2x128xf32, #tpu.memory_space<hbm>> -> memref<160x1x128xf32, #tpu.memory_space<hbm>>
    %dma_wait3A_120 = tpu.memref_squeeze %dma_wait3A_119 : memref<160x1x128xf32, #tpu.memory_space<hbm>> -> memref<160x128xf32, #tpu.memory_space<hbm>>
    tpu.wait_dma2 semaphore(%arg12 : memref<!tpu.dma_semaphore, #tpu.memory_space<semaphore_mem>>) src(%arg9 : memref<160x128xf32, #tpu.memory_space<vmem>>) dst(%dma_wait3A_120 : memref<160x128xf32, #tpu.memory_space<hbm>>)
    %scan3A_121 = arith.constant 0 : i32
    %scan3A_122 = arith.constant 0 : i32
    %scan3A_123 = arith.constant 160 : i32
    %scan3A_124 = arith.addi %scan3A_122, %scan3A_123 : i32
    %scan3A_125 = arith.constant 1 : i32
    scf.for %scan3A_262 = %scan3A_122 to %scan3A_124 step %scan3A_125  : i32 {
      %dma_start3A_263 = arith.constant 1 : i32
      %dma_start3A_264 = arith.constant 0 : i32
      %dma_start3A_265 = tpu.memref_slice %arg8[%scan3A_262, %dma_start3A_264] : memref<160x128xf32, #tpu.memory_space<vmem>> -> memref<1x128xf32, #tpu.memory_space<vmem>>
      %dma_start3A_266 = tpu.memref_squeeze %dma_start3A_265 : memref<1x128xf32, #tpu.memory_space<vmem>> -> memref<128xf32, #tpu.memory_space<vmem>>
      %dma_start3A_267 = arith.constant 0 : i32
      %dma_start3A_268 = tpu.memref_slice %arg5[%dma_start3A_263, %scan3A_262, %dma_start3A_267] : memref<2x160x128xi32, #tpu.memory_space<vmem>> -> memref<1x1x128xi32, #tpu.memory_space<vmem>>
      %dma_start3A_269 = tpu.memref_squeeze %dma_start3A_268 : memref<1x1x128xi32, #tpu.memory_space<vmem>> -> memref<128xi32, #tpu.memory_space<vmem>>
      %dma_start3A_270 = arith.constant 0 : i32
      %dma_start3A_271 = tpu.memref_slice %arg3[%dma_start3A_270] : memref<1000000xf32, #tpu.memory_space<hbm>> -> memref<1000000xf32, #tpu.memory_space<hbm>>
      tpu.enqueue_indirect_dma source(%dma_start3A_271 : memref<1000000xf32, #tpu.memory_space<hbm>>) target(%dma_start3A_266 : memref<128xf32, #tpu.memory_space<vmem>>) offsets(%dma_start3A_269 : memref<128xi32, #tpu.memory_space<vmem>>) semaphore(%arg10 : memref<!tpu.dma_semaphore, #tpu.memory_space<semaphore_mem>>)
    }
    %scan3A_126 = arith.constant 160 : i32
    %scan3A_127 = arith.constant 0 : i32
    %scan3A_128 = arith.constant 0 : i32
    %scan3A_129 = arith.constant 1280 : i32
    %scan3A_130 = arith.addi %scan3A_128, %scan3A_129 : i32
    %scan3A_131 = arith.constant 1 : i32
    scf.for %scan3A_262 = %scan3A_128 to %scan3A_130 step %scan3A_131  : i32 {
      %shift_right_arithmetic3A = arith.constant 3 : i32
      %shift_right_arithmetic3A_263 = arith.shrsi %scan3A_262, %shift_right_arithmetic3A : i32
      %and3A = arith.constant 7 : i32
      %and3A_264 = arith.andi %scan3A_262, %and3A : i32
      %mul3A_265 = arith.constant 16 : i32
      %mul3A_266 = arith.muli %and3A_264, %mul3A_265 : i32
      %get3A = arith.index_cast %shift_right_arithmetic3A_263 : i32 to index
      %get3A_267 = arith.index_cast %mul3A_266 : i32 to index
      %get3A_268 = tpu.vector_load %arg6[%get3A, %get3A_267] {strides = array<i32>} : memref<160x128xf32, #tpu.memory_space<vmem>>, vector<1x16xf32>,
      %get3A_269 = vector.shape_cast %get3A_268 : vector<1x16xf32> to vector<16xf32>
      %sub3A = arith.constant 1.000000e+00 : f32
      %sub3A_270 = vector.broadcast %sub3A : f32 to vector<16xf32>
      %sub3A_271 = arith.subf %sub3A_270, %get3A_269 : vector<16xf32>
      %swap3A = arith.index_cast %shift_right_arithmetic3A_263 : i32 to index
      %swap3A_272 = arith.index_cast %mul3A_266 : i32 to index
      %swap3A_273 = tpu.vector_load %arg7[%swap3A, %swap3A_272] {strides = array<i32>} : memref<160x128xf32, #tpu.memory_space<vmem>>, vector<1x16xf32>,
      %swap3A_274 = vector.shape_cast %swap3A_273 : vector<1x16xf32> to vector<16xf32>
      %swap3A_275 = vector.shape_cast %sub3A_271 : vector<16xf32> to vector<1x16xf32>
      tpu.vector_store %arg7[%swap3A, %swap3A_272], %swap3A_275 {strides = array<i32>} : memref<160x128xf32, #tpu.memory_space<vmem>>, vector<1x16xf32>,
    }
    %scan3A_132 = arith.constant 1280 : i32
    %add3A_133 = arith.constant 320 : i32
    %add3A_134 = arith.addi %mul3A_2, %add3A_133 : i32
    %dma_start3A_135 = arith.constant 0 : i32
    %dma_start3A_136 = arith.constant 0 : i32
    %dma_start3A_137 = tpu.memref_slice %arg4[%add3A_134, %dma_start3A_135, %dma_start3A_136] : memref<25600x2x128xf32, #tpu.memory_space<hbm>> -> memref<160x1x128xf32, #tpu.memory_space<hbm>>
    %dma_start3A_138 = tpu.memref_squeeze %dma_start3A_137 : memref<160x1x128xf32, #tpu.memory_space<hbm>> -> memref<160x128xf32, #tpu.memory_space<hbm>>
    %dma_start3A_139 = arith.constant 0 : i32
    %dma_start3A_140 = tpu.memref_slice %arg4[%add3A_134, %dma_start3A_135, %dma_start3A_139] : memref<25600x2x128xf32, #tpu.memory_space<hbm>> -> memref<160x1x128xf32, #tpu.memory_space<hbm>>
    %dma_start3A_141 = tpu.memref_squeeze %dma_start3A_140 : memref<160x1x128xf32, #tpu.memory_space<hbm>> -> memref<160x128xf32, #tpu.memory_space<hbm>>
    tpu.enqueue_dma source(%arg6 : memref<160x128xf32, #tpu.memory_space<vmem>>) target(%dma_start3A_141 : memref<160x128xf32, #tpu.memory_space<hbm>>) target_semaphore(%arg11 : memref<!tpu.dma_semaphore, #tpu.memory_space<semaphore_mem>>)
    %dma_start3A_142 = arith.constant 1 : i32
    %dma_start3A_143 = arith.constant 0 : i32
    %dma_start3A_144 = tpu.memref_slice %arg4[%add3A_134, %dma_start3A_142, %dma_start3A_143] : memref<25600x2x128xf32, #tpu.memory_space<hbm>> -> memref<160x1x128xf32, #tpu.memory_space<hbm>>
    %dma_start3A_145 = tpu.memref_squeeze %dma_start3A_144 : memref<160x1x128xf32, #tpu.memory_space<hbm>> -> memref<160x128xf32, #tpu.memory_space<hbm>>
    %dma_start3A_146 = arith.constant 0 : i32
    %dma_start3A_147 = tpu.memref_slice %arg4[%add3A_134, %dma_start3A_142, %dma_start3A_146] : memref<25600x2x128xf32, #tpu.memory_space<hbm>> -> memref<160x1x128xf32, #tpu.memory_space<hbm>>
    %dma_start3A_148 = tpu.memref_squeeze %dma_start3A_147 : memref<160x1x128xf32, #tpu.memory_space<hbm>> -> memref<160x128xf32, #tpu.memory_space<hbm>>
    tpu.enqueue_dma source(%arg7 : memref<160x128xf32, #tpu.memory_space<vmem>>) target(%dma_start3A_148 : memref<160x128xf32, #tpu.memory_space<hbm>>) target_semaphore(%arg11 : memref<!tpu.dma_semaphore, #tpu.memory_space<semaphore_mem>>)
    %scan3A_149 = arith.constant 0 : i32
    %scan3A_150 = arith.constant 0 : i32
    %scan3A_151 = arith.constant 160 : i32
    %scan3A_152 = arith.addi %scan3A_150, %scan3A_151 : i32
    %scan3A_153 = arith.constant 1 : i32
    scf.for %scan3A_262 = %scan3A_150 to %scan3A_152 step %scan3A_153  : i32 {
      %dma_wait3A_263 = arith.constant 1 : i32
      %dma_wait3A_264 = arith.constant 0 : i32
      %dma_wait3A_265 = tpu.memref_slice %arg8[%scan3A_262, %dma_wait3A_264] : memref<160x128xf32, #tpu.memory_space<vmem>> -> memref<1x128xf32, #tpu.memory_space<vmem>>
      %dma_wait3A_266 = tpu.memref_squeeze %dma_wait3A_265 : memref<1x128xf32, #tpu.memory_space<vmem>> -> memref<128xf32, #tpu.memory_space<vmem>>
      %dma_wait3A_267 = arith.constant 0 : i32
      %dma_wait3A_268 = tpu.memref_slice %arg5[%dma_wait3A_263, %scan3A_262, %dma_wait3A_267] : memref<2x160x128xi32, #tpu.memory_space<vmem>> -> memref<1x1x128xi32, #tpu.memory_space<vmem>>
      %dma_wait3A_269 = tpu.memref_squeeze %dma_wait3A_268 : memref<1x1x128xi32, #tpu.memory_space<vmem>> -> memref<128xi32, #tpu.memory_space<vmem>>
      %dma_wait3A_270 = arith.constant 0 : i32
      %dma_wait3A_271 = tpu.memref_slice %arg3[%dma_wait3A_270] : memref<1000000xf32, #tpu.memory_space<hbm>> -> memref<1000000xf32, #tpu.memory_space<hbm>>
      tpu.wait_indirect_dma semaphore(%arg10 : memref<!tpu.dma_semaphore, #tpu.memory_space<semaphore_mem>>) src(%dma_wait3A_271 : memref<1000000xf32, #tpu.memory_space<hbm>>) dst(%dma_wait3A_266 : memref<128xf32, #tpu.memory_space<vmem>>)
    }
    %scan3A_154 = arith.constant 160 : i32
    %add3A_155 = arith.constant 640 : i32
    %add3A_156 = arith.addi %mul3A_2, %add3A_155 : i32
    %run_scoped3A_157 = arith.constant 0 : i32
    "tpu.region"() ({
      %run_scoped3A_262 = tpu.sem_alloc : memref<!tpu.dma_semaphore, #tpu.memory_space<semaphore_mem>>
      %dma_start3A_263 = arith.constant 0 : i32
      %dma_start3A_264 = arith.constant 0 : i32
      %dma_start3A_265 = tpu.memref_slice %arg5[%run_scoped3A_157, %dma_start3A_263, %dma_start3A_264] : memref<2x160x128xi32, #tpu.memory_space<vmem>> -> memref<1x160x128xi32, #tpu.memory_space<vmem>>
      %dma_start3A_266 = tpu.memref_squeeze %dma_start3A_265 : memref<1x160x128xi32, #tpu.memory_space<vmem>> -> memref<160x128xi32, #tpu.memory_space<vmem>>
      %dma_start3A_267 = arith.constant 0 : i32
      %dma_start3A_268 = tpu.memref_slice %arg2[%add3A_156, %dma_start3A_267] : memref<25600x128xi32, #tpu.memory_space<hbm>> -> memref<160x128xi32, #tpu.memory_space<hbm>>
      %dma_start3A_269 = arith.constant 0 : i32
      %dma_start3A_270 = arith.constant 0 : i32
      %dma_start3A_271 = tpu.memref_slice %arg5[%run_scoped3A_157, %dma_start3A_269, %dma_start3A_270] : memref<2x160x128xi32, #tpu.memory_space<vmem>> -> memref<1x160x128xi32, #tpu.memory_space<vmem>>
      %dma_start3A_272 = tpu.memref_squeeze %dma_start3A_271 : memref<1x160x128xi32, #tpu.memory_space<vmem>> -> memref<160x128xi32, #tpu.memory_space<vmem>>
      %dma_start3A_273 = arith.constant 0 : i32
      %dma_start3A_274 = tpu.memref_slice %arg2[%add3A_156, %dma_start3A_273] : memref<25600x128xi32, #tpu.memory_space<hbm>> -> memref<160x128xi32, #tpu.memory_space<hbm>>
      tpu.enqueue_dma source(%dma_start3A_274 : memref<160x128xi32, #tpu.memory_space<hbm>>) target(%dma_start3A_272 : memref<160x128xi32, #tpu.memory_space<vmem>>) target_semaphore(%run_scoped3A_262 : memref<!tpu.dma_semaphore, #tpu.memory_space<semaphore_mem>>)
      %dma_wait3A_275 = arith.constant 0 : i32
      %dma_wait3A_276 = arith.constant 0 : i32
      %dma_wait3A_277 = tpu.memref_slice %arg5[%run_scoped3A_157, %dma_wait3A_275, %dma_wait3A_276] : memref<2x160x128xi32, #tpu.memory_space<vmem>> -> memref<1x160x128xi32, #tpu.memory_space<vmem>>
      %dma_wait3A_278 = tpu.memref_squeeze %dma_wait3A_277 : memref<1x160x128xi32, #tpu.memory_space<vmem>> -> memref<160x128xi32, #tpu.memory_space<vmem>>
      %dma_wait3A_279 = arith.constant 0 : i32
      %dma_wait3A_280 = tpu.memref_slice %arg2[%add3A_156, %dma_wait3A_279] : memref<25600x128xi32, #tpu.memory_space<hbm>> -> memref<160x128xi32, #tpu.memory_space<hbm>>
      %dma_wait3A_281 = arith.constant 0 : i32
      %dma_wait3A_282 = arith.constant 0 : i32
      %dma_wait3A_283 = tpu.memref_slice %arg5[%run_scoped3A_157, %dma_wait3A_281, %dma_wait3A_282] : memref<2x160x128xi32, #tpu.memory_space<vmem>> -> memref<1x160x128xi32, #tpu.memory_space<vmem>>
      %dma_wait3A_284 = tpu.memref_squeeze %dma_wait3A_283 : memref<1x160x128xi32, #tpu.memory_space<vmem>> -> memref<160x128xi32, #tpu.memory_space<vmem>>
      %dma_wait3A_285 = arith.constant 0 : i32
      %dma_wait3A_286 = tpu.memref_slice %arg2[%add3A_156, %dma_wait3A_285] : memref<25600x128xi32, #tpu.memory_space<hbm>> -> memref<160x128xi32, #tpu.memory_space<hbm>>
      tpu.wait_dma2 semaphore(%run_scoped3A_262 : memref<!tpu.dma_semaphore, #tpu.memory_space<semaphore_mem>>) src(%dma_wait3A_286 : memref<160x128xi32, #tpu.memory_space<hbm>>) dst(%dma_wait3A_284 : memref<160x128xi32, #tpu.memory_space<vmem>>)
      tpu.yield
    }) : () -> ()
    %add3A_158 = arith.constant 320 : i32
    %add3A_159 = arith.addi %mul3A_2, %add3A_158 : i32
    %dma_wait3A_160 = arith.constant 0 : i32
    %dma_wait3A_161 = arith.constant 0 : i32
    %dma_wait3A_162 = tpu.memref_slice %arg4[%add3A_159, %dma_wait3A_160, %dma_wait3A_161] : memref<25600x2x128xf32, #tpu.memory_space<hbm>> -> memref<160x1x128xf32, #tpu.memory_space<hbm>>
    %dma_wait3A_163 = tpu.memref_squeeze %dma_wait3A_162 : memref<160x1x128xf32, #tpu.memory_space<hbm>> -> memref<160x128xf32, #tpu.memory_space<hbm>>
    %dma_wait3A_164 = arith.constant 0 : i32
    %dma_wait3A_165 = tpu.memref_slice %arg4[%add3A_159, %dma_wait3A_160, %dma_wait3A_164] : memref<25600x2x128xf32, #tpu.memory_space<hbm>> -> memref<160x1x128xf32, #tpu.memory_space<hbm>>
    %dma_wait3A_166 = tpu.memref_squeeze %dma_wait3A_165 : memref<160x1x128xf32, #tpu.memory_space<hbm>> -> memref<160x128xf32, #tpu.memory_space<hbm>>
    tpu.wait_dma2 semaphore(%arg11 : memref<!tpu.dma_semaphore, #tpu.memory_space<semaphore_mem>>) src(%arg6 : memref<160x128xf32, #tpu.memory_space<vmem>>) dst(%dma_wait3A_166 : memref<160x128xf32, #tpu.memory_space<hbm>>)
    %dma_wait3A_167 = arith.constant 1 : i32
    %dma_wait3A_168 = arith.constant 0 : i32
    %dma_wait3A_169 = tpu.memref_slice %arg4[%add3A_159, %dma_wait3A_167, %dma_wait3A_168] : memref<25600x2x128xf32, #tpu.memory_space<hbm>> -> memref<160x1x128xf32, #tpu.memory_space<hbm>>
    %dma_wait3A_170 = tpu.memref_squeeze %dma_wait3A_169 : memref<160x1x128xf32, #tpu.memory_space<hbm>> -> memref<160x128xf32, #tpu.memory_space<hbm>>
    %dma_wait3A_171 = arith.constant 0 : i32
    %dma_wait3A_172 = tpu.memref_slice %arg4[%add3A_159, %dma_wait3A_167, %dma_wait3A_171] : memref<25600x2x128xf32, #tpu.memory_space<hbm>> -> memref<160x1x128xf32, #tpu.memory_space<hbm>>
    %dma_wait3A_173 = tpu.memref_squeeze %dma_wait3A_172 : memref<160x1x128xf32, #tpu.memory_space<hbm>> -> memref<160x128xf32, #tpu.memory_space<hbm>>
    tpu.wait_dma2 semaphore(%arg11 : memref<!tpu.dma_semaphore, #tpu.memory_space<semaphore_mem>>) src(%arg7 : memref<160x128xf32, #tpu.memory_space<vmem>>) dst(%dma_wait3A_173 : memref<160x128xf32, #tpu.memory_space<hbm>>)
    %scan3A_174 = arith.constant 0 : i32
    %scan3A_175 = arith.constant 0 : i32
    %scan3A_176 = arith.constant 160 : i32
    %scan3A_177 = arith.addi %scan3A_175, %scan3A_176 : i32
    %scan3A_178 = arith.constant 1 : i32
    scf.for %scan3A_262 = %scan3A_175 to %scan3A_177 step %scan3A_178  : i32 {
      %dma_start3A_263 = arith.constant 0 : i32
      %dma_start3A_264 = arith.constant 0 : i32
      %dma_start3A_265 = tpu.memref_slice %arg6[%scan3A_262, %dma_start3A_264] : memref<160x128xf32, #tpu.memory_space<vmem>> -> memref<1x128xf32, #tpu.memory_space<vmem>>
      %dma_start3A_266 = tpu.memref_squeeze %dma_start3A_265 : memref<1x128xf32, #tpu.memory_space<vmem>> -> memref<128xf32, #tpu.memory_space<vmem>>
      %dma_start3A_267 = arith.constant 0 : i32
      %dma_start3A_268 = tpu.memref_slice %arg5[%dma_start3A_263, %scan3A_262, %dma_start3A_267] : memref<2x160x128xi32, #tpu.memory_space<vmem>> -> memref<1x1x128xi32, #tpu.memory_space<vmem>>
      %dma_start3A_269 = tpu.memref_squeeze %dma_start3A_268 : memref<1x1x128xi32, #tpu.memory_space<vmem>> -> memref<128xi32, #tpu.memory_space<vmem>>
      %dma_start3A_270 = arith.constant 0 : i32
      %dma_start3A_271 = tpu.memref_slice %arg3[%dma_start3A_270] : memref<1000000xf32, #tpu.memory_space<hbm>> -> memref<1000000xf32, #tpu.memory_space<hbm>>
      tpu.enqueue_indirect_dma source(%dma_start3A_271 : memref<1000000xf32, #tpu.memory_space<hbm>>) target(%dma_start3A_266 : memref<128xf32, #tpu.memory_space<vmem>>) offsets(%dma_start3A_269 : memref<128xi32, #tpu.memory_space<vmem>>) semaphore(%arg10 : memref<!tpu.dma_semaphore, #tpu.memory_space<semaphore_mem>>)
    }
    %scan3A_179 = arith.constant 160 : i32
    %scan3A_180 = arith.constant 0 : i32
    %scan3A_181 = arith.constant 0 : i32
    %scan3A_182 = arith.constant 1280 : i32
    %scan3A_183 = arith.addi %scan3A_181, %scan3A_182 : i32
    %scan3A_184 = arith.constant 1 : i32
    scf.for %scan3A_262 = %scan3A_181 to %scan3A_183 step %scan3A_184  : i32 {
      %shift_right_arithmetic3A = arith.constant 3 : i32
      %shift_right_arithmetic3A_263 = arith.shrsi %scan3A_262, %shift_right_arithmetic3A : i32
      %and3A = arith.constant 7 : i32
      %and3A_264 = arith.andi %scan3A_262, %and3A : i32
      %mul3A_265 = arith.constant 16 : i32
      %mul3A_266 = arith.muli %and3A_264, %mul3A_265 : i32
      %get3A = arith.index_cast %shift_right_arithmetic3A_263 : i32 to index
      %get3A_267 = arith.index_cast %mul3A_266 : i32 to index
      %get3A_268 = tpu.vector_load %arg8[%get3A, %get3A_267] {strides = array<i32>} : memref<160x128xf32, #tpu.memory_space<vmem>>, vector<1x16xf32>,
      %get3A_269 = vector.shape_cast %get3A_268 : vector<1x16xf32> to vector<16xf32>
      %sub3A = arith.constant 1.000000e+00 : f32
      %sub3A_270 = vector.broadcast %sub3A : f32 to vector<16xf32>
      %sub3A_271 = arith.subf %sub3A_270, %get3A_269 : vector<16xf32>
      %swap3A = arith.index_cast %shift_right_arithmetic3A_263 : i32 to index
      %swap3A_272 = arith.index_cast %mul3A_266 : i32 to index
      %swap3A_273 = tpu.vector_load %arg9[%swap3A, %swap3A_272] {strides = array<i32>} : memref<160x128xf32, #tpu.memory_space<vmem>>, vector<1x16xf32>,
      %swap3A_274 = vector.shape_cast %swap3A_273 : vector<1x16xf32> to vector<16xf32>
      %swap3A_275 = vector.shape_cast %sub3A_271 : vector<16xf32> to vector<1x16xf32>
      tpu.vector_store %arg9[%swap3A, %swap3A_272], %swap3A_275 {strides = array<i32>} : memref<160x128xf32, #tpu.memory_space<vmem>>, vector<1x16xf32>,
    }
    %scan3A_185 = arith.constant 1280 : i32
    %add3A_186 = arith.constant 480 : i32
    %add3A_187 = arith.addi %mul3A_2, %add3A_186 : i32
    %dma_start3A_188 = arith.constant 0 : i32
    %dma_start3A_189 = arith.constant 0 : i32
    %dma_start3A_190 = tpu.memref_slice %arg4[%add3A_187, %dma_start3A_188, %dma_start3A_189] : memref<25600x2x128xf32, #tpu.memory_space<hbm>> -> memref<160x1x128xf32, #tpu.memory_space<hbm>>
    %dma_start3A_191 = tpu.memref_squeeze %dma_start3A_190 : memref<160x1x128xf32, #tpu.memory_space<hbm>> -> memref<160x128xf32, #tpu.memory_space<hbm>>
    %dma_start3A_192 = arith.constant 0 : i32
    %dma_start3A_193 = tpu.memref_slice %arg4[%add3A_187, %dma_start3A_188, %dma_start3A_192] : memref<25600x2x128xf32, #tpu.memory_space<hbm>> -> memref<160x1x128xf32, #tpu.memory_space<hbm>>
    %dma_start3A_194 = tpu.memref_squeeze %dma_start3A_193 : memref<160x1x128xf32, #tpu.memory_space<hbm>> -> memref<160x128xf32, #tpu.memory_space<hbm>>
    tpu.enqueue_dma source(%arg8 : memref<160x128xf32, #tpu.memory_space<vmem>>) target(%dma_start3A_194 : memref<160x128xf32, #tpu.memory_space<hbm>>) target_semaphore(%arg12 : memref<!tpu.dma_semaphore, #tpu.memory_space<semaphore_mem>>)
    %dma_start3A_195 = arith.constant 1 : i32
    %dma_start3A_196 = arith.constant 0 : i32
    %dma_start3A_197 = tpu.memref_slice %arg4[%add3A_187, %dma_start3A_195, %dma_start3A_196] : memref<25600x2x128xf32, #tpu.memory_space<hbm>> -> memref<160x1x128xf32, #tpu.memory_space<hbm>>
    %dma_start3A_198 = tpu.memref_squeeze %dma_start3A_197 : memref<160x1x128xf32, #tpu.memory_space<hbm>> -> memref<160x128xf32, #tpu.memory_space<hbm>>
    %dma_start3A_199 = arith.constant 0 : i32
    %dma_start3A_200 = tpu.memref_slice %arg4[%add3A_187, %dma_start3A_195, %dma_start3A_199] : memref<25600x2x128xf32, #tpu.memory_space<hbm>> -> memref<160x1x128xf32, #tpu.memory_space<hbm>>
    %dma_start3A_201 = tpu.memref_squeeze %dma_start3A_200 : memref<160x1x128xf32, #tpu.memory_space<hbm>> -> memref<160x128xf32, #tpu.memory_space<hbm>>
    tpu.enqueue_dma source(%arg9 : memref<160x128xf32, #tpu.memory_space<vmem>>) target(%dma_start3A_201 : memref<160x128xf32, #tpu.memory_space<hbm>>) target_semaphore(%arg12 : memref<!tpu.dma_semaphore, #tpu.memory_space<semaphore_mem>>)
    %scan3A_202 = arith.constant 0 : i32
    %scan3A_203 = arith.constant 0 : i32
    %scan3A_204 = arith.constant 160 : i32
    %scan3A_205 = arith.addi %scan3A_203, %scan3A_204 : i32
    %scan3A_206 = arith.constant 1 : i32
    scf.for %scan3A_262 = %scan3A_203 to %scan3A_205 step %scan3A_206  : i32 {
      %dma_wait3A_263 = arith.constant 0 : i32
      %dma_wait3A_264 = arith.constant 0 : i32
      %dma_wait3A_265 = tpu.memref_slice %arg6[%scan3A_262, %dma_wait3A_264] : memref<160x128xf32, #tpu.memory_space<vmem>> -> memref<1x128xf32, #tpu.memory_space<vmem>>
      %dma_wait3A_266 = tpu.memref_squeeze %dma_wait3A_265 : memref<1x128xf32, #tpu.memory_space<vmem>> -> memref<128xf32, #tpu.memory_space<vmem>>
      %dma_wait3A_267 = arith.constant 0 : i32
      %dma_wait3A_268 = tpu.memref_slice %arg5[%dma_wait3A_263, %scan3A_262, %dma_wait3A_267] : memref<2x160x128xi32, #tpu.memory_space<vmem>> -> memref<1x1x128xi32, #tpu.memory_space<vmem>>
      %dma_wait3A_269 = tpu.memref_squeeze %dma_wait3A_268 : memref<1x1x128xi32, #tpu.memory_space<vmem>> -> memref<128xi32, #tpu.memory_space<vmem>>
      %dma_wait3A_270 = arith.constant 0 : i32
      %dma_wait3A_271 = tpu.memref_slice %arg3[%dma_wait3A_270] : memref<1000000xf32, #tpu.memory_space<hbm>> -> memref<1000000xf32, #tpu.memory_space<hbm>>
      tpu.wait_indirect_dma semaphore(%arg10 : memref<!tpu.dma_semaphore, #tpu.memory_space<semaphore_mem>>) src(%dma_wait3A_271 : memref<1000000xf32, #tpu.memory_space<hbm>>) dst(%dma_wait3A_266 : memref<128xf32, #tpu.memory_space<vmem>>)
    }
    %scan3A_207 = arith.constant 160 : i32
    %scan3A_208 = arith.constant 0 : i32
    %scan3A_209 = arith.constant 0 : i32
    %scan3A_210 = arith.constant 1280 : i32
    %scan3A_211 = arith.addi %scan3A_209, %scan3A_210 : i32
    %scan3A_212 = arith.constant 1 : i32
    scf.for %scan3A_262 = %scan3A_209 to %scan3A_211 step %scan3A_212  : i32 {
      %shift_right_arithmetic3A = arith.constant 3 : i32
      %shift_right_arithmetic3A_263 = arith.shrsi %scan3A_262, %shift_right_arithmetic3A : i32
      %and3A = arith.constant 7 : i32
      %and3A_264 = arith.andi %scan3A_262, %and3A : i32
      %mul3A_265 = arith.constant 16 : i32
      %mul3A_266 = arith.muli %and3A_264, %mul3A_265 : i32
      %get3A = arith.index_cast %shift_right_arithmetic3A_263 : i32 to index
      %get3A_267 = arith.index_cast %mul3A_266 : i32 to index
      %get3A_268 = tpu.vector_load %arg6[%get3A, %get3A_267] {strides = array<i32>} : memref<160x128xf32, #tpu.memory_space<vmem>>, vector<1x16xf32>,
      %get3A_269 = vector.shape_cast %get3A_268 : vector<1x16xf32> to vector<16xf32>
      %sub3A = arith.constant 1.000000e+00 : f32
      %sub3A_270 = vector.broadcast %sub3A : f32 to vector<16xf32>
      %sub3A_271 = arith.subf %sub3A_270, %get3A_269 : vector<16xf32>
      %swap3A = arith.index_cast %shift_right_arithmetic3A_263 : i32 to index
      %swap3A_272 = arith.index_cast %mul3A_266 : i32 to index
      %swap3A_273 = tpu.vector_load %arg7[%swap3A, %swap3A_272] {strides = array<i32>} : memref<160x128xf32, #tpu.memory_space<vmem>>, vector<1x16xf32>,
      %swap3A_274 = vector.shape_cast %swap3A_273 : vector<1x16xf32> to vector<16xf32>
      %swap3A_275 = vector.shape_cast %sub3A_271 : vector<16xf32> to vector<1x16xf32>
      tpu.vector_store %arg7[%swap3A, %swap3A_272], %swap3A_275 {strides = array<i32>} : memref<160x128xf32, #tpu.memory_space<vmem>>, vector<1x16xf32>,
    }
    %scan3A_213 = arith.constant 1280 : i32
    %add3A_214 = arith.constant 640 : i32
    %add3A_215 = arith.addi %mul3A_2, %add3A_214 : i32
    %dma_start3A_216 = arith.constant 0 : i32
    %dma_start3A_217 = arith.constant 0 : i32
    %dma_start3A_218 = tpu.memref_slice %arg4[%add3A_215, %dma_start3A_216, %dma_start3A_217] : memref<25600x2x128xf32, #tpu.memory_space<hbm>> -> memref<160x1x128xf32, #tpu.memory_space<hbm>>
    %dma_start3A_219 = tpu.memref_squeeze %dma_start3A_218 : memref<160x1x128xf32, #tpu.memory_space<hbm>> -> memref<160x128xf32, #tpu.memory_space<hbm>>
    %dma_start3A_220 = arith.constant 0 : i32
    %dma_start3A_221 = tpu.memref_slice %arg4[%add3A_215, %dma_start3A_216, %dma_start3A_220] : memref<25600x2x128xf32, #tpu.memory_space<hbm>> -> memref<160x1x128xf32, #tpu.memory_space<hbm>>
    %dma_start3A_222 = tpu.memref_squeeze %dma_start3A_221 : memref<160x1x128xf32, #tpu.memory_space<hbm>> -> memref<160x128xf32, #tpu.memory_space<hbm>>
    tpu.enqueue_dma source(%arg6 : memref<160x128xf32, #tpu.memory_space<vmem>>) target(%dma_start3A_222 : memref<160x128xf32, #tpu.memory_space<hbm>>) target_semaphore(%arg11 : memref<!tpu.dma_semaphore, #tpu.memory_space<semaphore_mem>>)
    %dma_start3A_223 = arith.constant 1 : i32
    %dma_start3A_224 = arith.constant 0 : i32
    %dma_start3A_225 = tpu.memref_slice %arg4[%add3A_215, %dma_start3A_223, %dma_start3A_224] : memref<25600x2x128xf32, #tpu.memory_space<hbm>> -> memref<160x1x128xf32, #tpu.memory_space<hbm>>
    %dma_start3A_226 = tpu.memref_squeeze %dma_start3A_225 : memref<160x1x128xf32, #tpu.memory_space<hbm>> -> memref<160x128xf32, #tpu.memory_space<hbm>>
    %dma_start3A_227 = arith.constant 0 : i32
    %dma_start3A_228 = tpu.memref_slice %arg4[%add3A_215, %dma_start3A_223, %dma_start3A_227] : memref<25600x2x128xf32, #tpu.memory_space<hbm>> -> memref<160x1x128xf32, #tpu.memory_space<hbm>>
    %dma_start3A_229 = tpu.memref_squeeze %dma_start3A_228 : memref<160x1x128xf32, #tpu.memory_space<hbm>> -> memref<160x128xf32, #tpu.memory_space<hbm>>
    tpu.enqueue_dma source(%arg7 : memref<160x128xf32, #tpu.memory_space<vmem>>) target(%dma_start3A_229 : memref<160x128xf32, #tpu.memory_space<hbm>>) target_semaphore(%arg11 : memref<!tpu.dma_semaphore, #tpu.memory_space<semaphore_mem>>)
    %add3A_230 = arith.constant 480 : i32
    %add3A_231 = arith.addi %mul3A_2, %add3A_230 : i32
    %dma_wait3A_232 = arith.constant 0 : i32
    %dma_wait3A_233 = arith.constant 0 : i32
    %dma_wait3A_234 = tpu.memref_slice %arg4[%add3A_231, %dma_wait3A_232, %dma_wait3A_233] : memref<25600x2x128xf32, #tpu.memory_space<hbm>> -> memref<160x1x128xf32, #tpu.memory_space<hbm>>
    %dma_wait3A_235 = tpu.memref_squeeze %dma_wait3A_234 : memref<160x1x128xf32, #tpu.memory_space<hbm>> -> memref<160x128xf32, #tpu.memory_space<hbm>>
    %dma_wait3A_236 = arith.constant 0 : i32
    %dma_wait3A_237 = tpu.memref_slice %arg4[%add3A_231, %dma_wait3A_232, %dma_wait3A_236] : memref<25600x2x128xf32, #tpu.memory_space<hbm>> -> memref<160x1x128xf32, #tpu.memory_space<hbm>>
    %dma_wait3A_238 = tpu.memref_squeeze %dma_wait3A_237 : memref<160x1x128xf32, #tpu.memory_space<hbm>> -> memref<160x128xf32, #tpu.memory_space<hbm>>
    tpu.wait_dma2 semaphore(%arg12 : memref<!tpu.dma_semaphore, #tpu.memory_space<semaphore_mem>>) src(%arg8 : memref<160x128xf32, #tpu.memory_space<vmem>>) dst(%dma_wait3A_238 : memref<160x128xf32, #tpu.memory_space<hbm>>)
    %dma_wait3A_239 = arith.constant 1 : i32
    %dma_wait3A_240 = arith.constant 0 : i32
    %dma_wait3A_241 = tpu.memref_slice %arg4[%add3A_231, %dma_wait3A_239, %dma_wait3A_240] : memref<25600x2x128xf32, #tpu.memory_space<hbm>> -> memref<160x1x128xf32, #tpu.memory_space<hbm>>
    %dma_wait3A_242 = tpu.memref_squeeze %dma_wait3A_241 : memref<160x1x128xf32, #tpu.memory_space<hbm>> -> memref<160x128xf32, #tpu.memory_space<hbm>>
    %dma_wait3A_243 = arith.constant 0 : i32
    %dma_wait3A_244 = tpu.memref_slice %arg4[%add3A_231, %dma_wait3A_239, %dma_wait3A_243] : memref<25600x2x128xf32, #tpu.memory_space<hbm>> -> memref<160x1x128xf32, #tpu.memory_space<hbm>>
    %dma_wait3A_245 = tpu.memref_squeeze %dma_wait3A_244 : memref<160x1x128xf32, #tpu.memory_space<hbm>> -> memref<160x128xf32, #tpu.memory_space<hbm>>
    tpu.wait_dma2 semaphore(%arg12 : memref<!tpu.dma_semaphore, #tpu.memory_space<semaphore_mem>>) src(%arg9 : memref<160x128xf32, #tpu.memory_space<vmem>>) dst(%dma_wait3A_245 : memref<160x128xf32, #tpu.memory_space<hbm>>)
    %add3A_246 = arith.constant 640 : i32
    %add3A_247 = arith.addi %mul3A_2, %add3A_246 : i32
    %dma_wait3A_248 = arith.constant 0 : i32
    %dma_wait3A_249 = arith.constant 0 : i32
    %dma_wait3A_250 = tpu.memref_slice %arg4[%add3A_247, %dma_wait3A_248, %dma_wait3A_249] : memref<25600x2x128xf32, #tpu.memory_space<hbm>> -> memref<160x1x128xf32, #tpu.memory_space<hbm>>
    %dma_wait3A_251 = tpu.memref_squeeze %dma_wait3A_250 : memref<160x1x128xf32, #tpu.memory_space<hbm>> -> memref<160x128xf32, #tpu.memory_space<hbm>>
    %dma_wait3A_252 = arith.constant 0 : i32
    %dma_wait3A_253 = tpu.memref_slice %arg4[%add3A_247, %dma_wait3A_248, %dma_wait3A_252] : memref<25600x2x128xf32, #tpu.memory_space<hbm>> -> memref<160x1x128xf32, #tpu.memory_space<hbm>>
    %dma_wait3A_254 = tpu.memref_squeeze %dma_wait3A_253 : memref<160x1x128xf32, #tpu.memory_space<hbm>> -> memref<160x128xf32, #tpu.memory_space<hbm>>
    tpu.wait_dma2 semaphore(%arg11 : memref<!tpu.dma_semaphore, #tpu.memory_space<semaphore_mem>>) src(%arg6 : memref<160x128xf32, #tpu.memory_space<vmem>>) dst(%dma_wait3A_254 : memref<160x128xf32, #tpu.memory_space<hbm>>)
    %dma_wait3A_255 = arith.constant 1 : i32
    %dma_wait3A_256 = arith.constant 0 : i32
    %dma_wait3A_257 = tpu.memref_slice %arg4[%add3A_247, %dma_wait3A_255, %dma_wait3A_256] : memref<25600x2x128xf32, #tpu.memory_space<hbm>> -> memref<160x1x128xf32, #tpu.memory_space<hbm>>
    %dma_wait3A_258 = tpu.memref_squeeze %dma_wait3A_257 : memref<160x1x128xf32, #tpu.memory_space<hbm>> -> memref<160x128xf32, #tpu.memory_space<hbm>>
    %dma_wait3A_259 = arith.constant 0 : i32
    %dma_wait3A_260 = tpu.memref_slice %arg4[%add3A_247, %dma_wait3A_255, %dma_wait3A_259] : memref<25600x2x128xf32, #tpu.memory_space<hbm>> -> memref<160x1x128xf32, #tpu.memory_space<hbm>>
    %dma_wait3A_261 = tpu.memref_squeeze %dma_wait3A_260 : memref<160x1x128xf32, #tpu.memory_space<hbm>> -> memref<160x128xf32, #tpu.memory_space<hbm>>
    tpu.wait_dma2 semaphore(%arg11 : memref<!tpu.dma_semaphore, #tpu.memory_space<semaphore_mem>>) src(%arg7 : memref<160x128xf32, #tpu.memory_space<vmem>>) dst(%dma_wait3A_261 : memref<160x128xf32, #tpu.memory_space<hbm>>)
    return
  }
}

</mosaic_0001>

<sc_bundles>
// kernel: kernel.4.cloned.1.call-start
scs
__scs_entry_jumppad:
0x0: {  	(pc) =	sbr.rel $0x88, $3  }
0x1: {  	(tag) =	ssettag $0x0;
	lr =	simm.s32 $0x1  }
0x2: {  	[smem:$0x3F9F] =	sst lr;
	_ =	strace $0xD0000000  }
0x3: {  	_ = 	snop  }
0x4: {  	_ = 	snop  }
0x5: {  	_ = 	snop  }
0x6: {  	_ = 	snop  }
0x7: {  	_ = 	snop  }
__scs_overlays_trampoline_lowered:
0x8: {  	[smem:$0x3FAE] =	sst s0  }
0x9: {  	[smem:$0x3FAF] =	sst s1  }
0xa: {  	[smem:$0x3FB0] =	sst s2  }
0xb: {  	[smem:$0x3FB1] =	sst s3  }
0xc: {  	[smem:$0x3FB2] =	sst s4  }
0xd: {  	[smem:$0x3FB3] =	sst s5  }
0xe: {  	[smem:$0x3FB4] =	sst s6  }
0xf: {  	[smem:$0x3FB5] =	sst s7  }
0x10: {  	[smem:$0x3FB6] =	sst s8  }
0x11: {  	[smem:$0x3FB7] =	sst s9;
	s0 =	simm.s32 @!p0 $0x0  }
0x12: {  	s1 =	sld [smem:$0x3F9D];
	s0 =	simm.s32 @p0 $0x1  }
0x13: {  	[smem:$0x3FB8] =	sst s0;
	s0 =	simm.s32 @!p1 $0x0  }
0x14: {  	s2 =	sld [smem:$0x3F9C];
	s0 =	simm.s32 @p1 $0x1  }
0x15: {  	[smem:$0x3FB9] =	sst s0;
	s0 =	simm.s32 @!p2 $0x0  }
0x16: {  	s3 =	sld [smem:$0x3FDB];
	s0 =	simm.s32 @p2 $0x1  }
0x17: {  	s4 =	simm.s32 $0x1BF5;
	[smem:$0x3FBB] =	sst s0  }
0x18: {  	s0 =	sld [smem:$0x3F9E];
	_ =	swait.ge [sflag:s4], $0x0  }
0x19: {  	s7 =	sld [smem:$0x3F9F]  }
0x1a: {  	s8 =	sadd.s32 $0xFFFFE003, lr  }
0x1b: {  	s9 =	sadd.s32 $0xFFFFFEF7, lr;
	s5 =	simm.s32 $0xFFFFFFFF;
	p2 =	slt.u32 s8, $0xFFFFF086  }
0x1c: {  	p1 =	slt.u32 s9, $0xF7A;
	s5 =	simm.s32 @!p2 $0x0  }
0x1d: {  	s5 =	simm.s32 @p1 $0x1;
	p0 =	seq.s32 s7, s2  }
0x1e: {  	s7 =	smul.u32 @!p0 $0xF7A, s2;
	p2 =	seq.s32 @!p0 s5, $0x0  }
0x1f: {  	s9 =	smul.u32 $0xF7A, s1;
	s8 =	simm.s32 @!p0 $0x1BF5;
	p2 =	por !p2, p0  }
0x20: {  	[sflag:s8] =	ssyncset.s32 @!p0 $0xFFFFF086;
	s6 =	sadd.s32 @!p0 s3, s7;
	s7 =	simm.s32 @!p0 $0x108  }
0x21: {  	s3 =	sadd.s32 s3, s9;
	s6 =	sadd.s32 @!p0 $0x88, s6;
	s7 =	simm.s32 @p2 $0x1082  }
0x22: {  	[simem:s7], [sflag:s8] =	dma.local @!p0 [hbm:s6], $0xF7A  }
0x23: {  	s9 =	sor.u32 $0xD0000000, s2;
	s6 =	simm.s32 $0x108;
	_ =	swait.ge @!p0 [sflag:s8], $0x0  }
0x24: {  	s3 =	sadd.s32 $0x88, s3;
	s6 =	simm.s32 @!p1 $0x1082;
	[sflag:s4] =	ssyncset.s32 $0xFFFFF086  }
0x25: {  	[simem:s6], [sflag:s4] =	dma.local [hbm:s3], $0xF7A  }
0x26: {  	[smem:$0x3F9F] =	sst s1;
	(tag) =	ssettag s2;
	_ =	strace s9  }
0x27: {  	s1 =	sld [smem:$0x3FAF]  }
0x28: {  	s2 =	sld [smem:$0x3FB0]  }
0x29: {  	s4 =	sld [smem:$0x3FB2]  }
0x2a: {  	p0 =	seq.s32 s5, $0x0;
	s5 =	sld [smem:$0x3FB3]  }
0x2b: {  	s6 =	sld [smem:$0x3FB4]  }
0x2c: {  	s7 =	sld [smem:$0x3FB5]  }
0x2d: {  	s3 =	simm.s32 $0x108;
	s8 =	sld [smem:$0x3FB6]  }
0x2e: {  	s3 =	simm.s32 @!p0 $0x1082;
	s9 =	sld [smem:$0x3FB7]  }
0x2f: {  	lr =	sadd.s32 s0, s3;
	s0 =	sld [smem:$0x3FAE]  }
0x30: {  	s3 =	sld [smem:$0x3FB1]  }
0x31: {  	[smem:$0x3FBA] =	sst s10  }
0x32: {  	s10 =	sld [smem:$0x3FB8];
	_ =	sdelay $0x3  }
0x33: {  	p0 =	seq.s32 s10, $0x1;
	s10 =	sld [smem:$0x3FBA];
	_ =	sdelay $0x3  }
0x34: {  	[smem:$0x3FBA] =	sst s10  }
0x35: {  	s10 =	sld [smem:$0x3FB9];
	_ =	sdelay $0x3  }
0x36: {  	p1 =	seq.s32 s10, $0x1;
	s10 =	sld [smem:$0x3FBA];
	_ =	sdelay $0x3  }
0x37: {  	[smem:$0x3FBA] =	sst s10  }
0x38: {  	s10 =	sld [smem:$0x3FBB]  }
0x39: {  	_ = 	snop;
	(pc) =	sbr.ind lr, $3  }
0x3a: {  	_ = 	snop  }
0x3b: {  	_ = 	snop  }
0x3c: {  	p2 =	seq.s32 s10, $0x1;
	s10 =	sld [smem:$0x3FBA]  }
0x3d: {  	_ =	shalt  }
0x3e: {  	_ =	shalt  }
0x3f: {  	_ =	shalt  }
0x40: {  	_ =	shalt  }
0x41: {  	_ =	shalt  }
0x42: {  	_ =	shalt  }
0x43: {  	_ =	shalt  }
0x44: {  	_ =	shalt  }
0x45: {  	_ =	shalt  }
0x46: {  	_ =	shalt  }
0x47: {  	_ =	shalt  }
0x48: {  	_ =	shalt  }
0x49: {  	_ =	shalt  }
0x4a: {  	_ =	shalt  }
0x4b: {  	_ =	shalt  }
0x4c: {  	_ =	shalt  }
0x4d: {  	_ =	shalt  }
0x4e: {  	_ =	shalt  }
0x4f: {  	_ =	shalt  }
0x50: {  	_ =	shalt  }
0x51: {  	_ =	shalt  }
0x52: {  	_ =	shalt  }
0x53: {  	_ =	shalt  }
0x54: {  	_ =	shalt  }
0x55: {  	_ =	shalt  }
0x56: {  	_ =	shalt  }
0x57: {  	_ =	shalt  }
0x58: {  	_ =	shalt  }
0x59: {  	_ =	shalt  }
0x5a: {  	_ =	shalt  }
0x5b: {  	_ =	shalt  }
0x5c: {  	_ =	shalt  }
0x5d: {  	_ =	shalt  }
0x5e: {  	_ =	shalt  }
0x5f: {  	_ =	shalt  }
0x60: {  	_ =	shalt  }
0x61: {  	_ =	shalt  }
0x62: {  	_ =	shalt  }
0x63: {  	_ =	shalt  }
0x64: {  	_ =	shalt  }
0x65: {  	_ =	shalt  }
0x66: {  	_ =	shalt  }
0x67: {  	_ =	shalt  }
0x68: {  	_ =	shalt  }
0x69: {  	_ =	shalt  }
0x6a: {  	_ =	shalt  }
0x6b: {  	_ =	shalt  }
0x6c: {  	_ =	shalt  }
0x6d: {  	_ =	shalt  }
0x6e: {  	_ =	shalt  }
0x6f: {  	_ =	shalt  }
0x70: {  	_ =	shalt  }
0x71: {  	_ =	shalt  }
0x72: {  	_ =	shalt  }
0x73: {  	_ =	shalt  }
0x74: {  	_ =	shalt  }
0x75: {  	_ =	shalt  }
0x76: {  	_ =	shalt  }
0x77: {  	_ =	shalt  }
0x78: {  	_ =	shalt  }
0x79: {  	_ =	shalt  }
0x7a: {  	_ =	shalt  }
0x7b: {  	_ =	shalt  }
0x7c: {  	_ =	shalt  }
0x7d: {  	_ =	shalt  }
0x7e: {  	_ =	shalt  }
0x7f: {  	_ =	shalt  }
0x80: {  	_ =	shalt  }
0x81: {  	_ =	shalt  }
0x82: {  	_ =	shalt  }
0x83: {  	_ =	shalt  }
0x84: {  	_ =	shalt  }
0x85: {  	_ =	shalt  }
0x86: {  	_ =	shalt  }
0x87: {  	_ =	shalt  }
.Lfunc_end0:
.L_simem_size_0:
called_computation_lowered:
.L_overlay_start_0:
0x88: {  	s2 =	sld [smem:$0x3FD9]  }
0x89: {  	s3 =	sld [smem:$0x3FFE];
	_ =	sdelay $0x1  }
0x8a: {  	s1 =	srdreg.scid  }
0x8b: {  	s0 =	sand.u32 $0x1, s1  }
0x8c: {  	s17 =	sshll.u32 s0, $0xA;
	s2 =	sadd.s32 s3, s2  }
0x8d: {  	s2 =	sadd.s32 s2, s17  }
0x8e: {  	[smem:$0x3FC6] =	sst s2  }
0x8f: {  	_ = 	snop  }
0x90: {  	s2 =	sld [smem:$0x3FD0];
	(tm) =	ssettm $0x1  }
0x91: {  	s18 =	sld [smem:$0x3FFB];
	_ =	sdelay $0x3  }
0x92: {  	_ =	strace s18  }
0x93: {  	s3 =	sld [smem:$0x3FFC];
	_ =	sdelay $0x3  }
0x94: {  	_ =	strace s3  }
0x95: {  	s3 =	sld [smem:$0x3FFD];
	_ =	sdelay $0x3  }
0x96: {  	_ =	strace s3  }
0x97: {  	_ =	strace $0x8FFFFFFF  }
0x98: {  	s19 =	sld [smem:$0x3FDB];
	_ =	sdelay $0x1  }
0x99: {  	s4 =	simm.s32 $_scs_section_size  }
0x9a: {  	s5 =	simm.s32 $_size__tile_overlayer_lowered;
	s6 =	simm.s32 $_tile_overlayer_lowered  }
0x9b: {  	s22 =	simm.s32 $0x1BFF;
	s21 =	sshll.u32 s6, $0x1;
	s3 =	sadd.s32 s4, s19  }
0x9c: {  	s7 =	simm.s32 $0x0;
	s20 =	sshll.u32 s5, $0x1;
	s5 =	sadd.s32 s21, s3  }
0x9d: {  	[timem:s7], [sflag:s22] =	dma.local [hbm:s5], s20  }
0x9e: {  	_ =	swait.ge [sflag:s22], s20  }
0x9f: {  	s4 =	ssub.s32 $0x0, s20;
	[sflag:s22] =	ssyncset.done $0x0  }
0xa0: {  	[sflag:s22] =	ssyncadd.s32 s4;
	_ =	sdelay $0x1  }
0xa1: {  	s23 =	simm.s32 $0x1B8B  }
0xa2: {  	_ =	swait.ge [sflag:s23], $0x1  }
0xa3: {  	[sflag:s23] =	ssyncset.done $0x0  }
0xa4: {  	s25 =	simm.s32 $0x1B8E;
	s24 =	sld [smem:$0x3FFE];
	[sflag:s23] =	ssyncadd.s32 $0xFFFFFFFF  }
0xa5: {  	s26 =	simm.s32 $execute0_lowered;
	[smem:$0x3FD2] =	sst s25  }
0xa6: {  	s5 =	sshll.u32 s26, $0x1;
	_ =	strace $0x80000046;
	[dreg:$0x1] =	wrdreg $0xFFFFFFFF  }
0xa7: {  	s28 =	simm.s32 $_size_execute0_lowered;
	s3 =	sadd.s32 s3, s5;
	[dreg:$0x0] =	wrdreg $0x0  }
0xa8: {  	s5 =	sshll.u32 s28, $0x1;
	[dreg:$0x2] =	wrdreg s3  }
0xa9: {  	[dreg:$0x3] =	wrdreg s5  }
0xaa: {  	[dreg:$0x4] =	wrdreg $0xC0  }
0xab: {  	_ =	task [dreg:s7], $0x5FFFF  }
0xac: {  	[dreg:$0x1] =	wrdreg $0xFFFFFFFF  }
0xad: {  	[dreg:$0x0] =	wrdreg $0x60  }
0xae: {  	[dreg:$0x2] =	wrdreg s2  }
0xaf: {  	[dreg:$0x3] =	wrdreg s24  }
0xb0: {  	[dreg:$0x4] =	wrdreg $0x9  }
0xb1: {  	_ =	task.clear_ibuf [dreg:s7], $0x5FFFF;
	_ =	strace $0x90000046  }
0xb2: {  	s29 =	simm.s32 $0x9;
	_ =	strace $0x80000048  }
0xb3: {  	_ =	swait.ge [sflag:s29], $0x1  }
0xb4: {  	[sflag:s29] =	ssyncadd.s32 $0xFFFFFFFF  }
0xb5: {  	_ =	strace $0x90000048  }
0xb6: {  	_ =	sfence  }
0xb7: {  	s30 =	sld [smem:$0x0];
	_ =	sdelay $0x2  }
0xb8: {  	s31 =	sshll.u32 s1, $0xD;
	s1 =	sshrl.u32 s1, $0x2  }
0xb9: {  	s3 =	sand.u32 $0x4000, s31;
	s1 =	sadd.s32 s1, s30  }
0xba: {  	s0 =	sor.u32 s3, s0;
	s1 =	sshll.u32 s1, $0x11  }
0xbb: {  	s0 =	sor.u32 s1, s0  }
0xbc: {  	s0 =	sadd.s32 $0x8F2B, s0  }
0xbd: {  	[sflag:s0] =	ssyncadd.remote.s32 $0x1  }
0xbe: {  	_ =	sfence.sel $0xFFFF  }
0xbf: {  	[dreg:$0x0] =	wrdreg $0xFFFFFFFF;
	(pc) =	sbr.abs _section_cstart, $3  }
0xc0: {  	[dreg:$0x1] =	wrdreg $0xFFFFFFFF  }
0xc1: {  	_ =	task.clear_ibuf [dreg:s7], $0x2FFFF;
	_ =	strace $0x9FFFFFFF  }
0xc2: {  	(tm) =	ssettm $0x7FFFFFFF  }
0xc3: {  	_ =	shalt  }
tec
execute0_lowered:
.L_overlay_start_1:
0x0: {  	(tag) =	ssettag $0x1  }
0x1: {  	s9 =	rddreg [dreg:$0x0]  }
0x2: {  	s3 =	rddreg [dreg:$0x1]  }
0x3: {  	s2 =	simm.s32 $0x0;
	s4 =	srdreg.scid;
	s1 =	stileid.u32  }
0x4: {  	s17 =	simm.s32 $0x2000;
	s18 =	simm.s32 $0x6000;
	s19 =	simm.s32 $0x1  }
0x5: {  	s20 =	simm.s32 $0x8000;
	s21 =	simm.s32 $0xA000;
	s22 =	simm.s32 $0x2  }
0x6: {  	s23 =	simm.s32 $0x3;
	s24 =	simm.s32 $0x0;
	[smem:$0x7FF] =	sst s2  }
0x7: {  	s4 =	sand.u32 $0x1, s4;
	s5 =	sshll.u32 s1, $0x1;
	s14 =	sadd.s32 $0x1800, s3  }
0x8: {  	_ =	strace $0x80000047;
	s6 =	ssub.s32 $0x2, s4;
	s4 =	sor.u32 s4, s5  }
0x9: {  	s29 =	sshrl.u32 s6, $0x1;
	s5 =	smin.u32 s4, $0x1A;
	s7 =	sshll.u32 s4, $0xA  }
0xa: {  	s15 =	ssub.s32 s6, s29;
	s30 =	sshll.u32 s5, $0xD;
	s3 =	sadd.s32 s9, s7  }
0xb: {  	s11 =	sor.u32 $0x8000, s7;
	s13 =	sor.u32 $0x10000, s7;
	s7 =	sadd.s32 s14, s7  }
0xc: {  	s31 =	sor.u32 $0xC0000, s30;
	s4 =	sadd.s32 $0x1E848, s3;
	s5 =	sadd.s32 s9, s11  }
0xd: {  	s6 =	sadd.s32 $0x26848, s3;
	s10 =	sadd.s32 $0x2E848, s3;
	s8 =	smin.u32 s31, $0xF2240  }
0xe: {  	s11 =	sadd.s32 s14, s11;
	s15 =	smax.u32 s15, $0x1;
	s16 =	sshrl.u32 s8, $0x3  }
0xf: {  	s8 =	sadd.s32 s9, s13;
	s13 =	sadd.s32 s14, s13;
	s9 =	sadd.s32 s9, s16  }
0x10: {  	s14 =	sadd.s32 s14, s16;
	s16 =	simm.s32 $0x4000;
	s12 =	sadd.s32 $0x1E848, s9  }
.LBB2_1:
0x11: {  	[tilespmem:s2], [sflag:$0x1] =	stream.linear.gather [hbm4b:s3+s2], $0x2000, $0x38;
	[tilespmem:$0xC000] =	vst v63  }
0x12: {  	_ = 	snop  }
0x13: {  	[tilespmem:s16], [sflag:$0x1] =	stream.linear.gather [hbm4b:s4+s2], $0x2000, $0x38;
	[tilespmem:$0xC000] =	vst v63  }
0x14: {  	_ = 	snop  }
0x15: {  	[tilespmem:s17], [sflag:$0x1] =	stream.linear.gather [hbm4b:s5+s2], $0x2000, $0x38;
	[tilespmem:$0xC000] =	vst v63  }
0x16: {  	_ = 	snop  }
0x17: {  	[tilespmem:s18], [sflag:$0x1] =	stream.linear.gather [hbm4b:s6+s2], $0x2000, $0x38;
	[tilespmem:$0xC000] =	vst v63  }
0x18: {  	_ =	swait.ge [sflag:s19], $0x2000  }
0x19: {  	[sflag:s19] =	ssyncset.done $0x0  }
0x1a: {  	[sflag:s19] =	ssyncadd.s32 $0xFFFFE000  }
0x1b: {  	_ =	swait.ge [sflag:s19], $0x2000  }
0x1c: {  	[sflag:s19] =	ssyncset.done $0x0  }
0x1d: {  	s25 =	simm.s32 $0x0;
	[sflag:s19] =	ssyncadd.s32 $0xFFFFE000  }
0x1e: {  	v0 =	vld [tilespmem:s25+$0x0]  }
0x1f: {  	v1 =	vld [tilespmem:s25+$0x4000];
	_ =	sdelay $0x2  }
0x20: {  	s26 =	simm.s32 $0x10  }
0x21: {  	v2 =	vld [tilespmem:s26+$0x0]  }
0x22: {  	v3 =	vld [tilespmem:s26+$0x4000];
	v0 =	vsub.f32 v1, v0;
	_ =	sdelay $0x1  }
0x23: {  	v0 =	vmul.f32 $1.442695020e+00, v0;
	_ =	sdelay $0x1  }
0x24: {  	s28 =	simm.s32 $0x20;
	(erf) = vpow2.f32 v0  }
0x25: {  	v1 =	vsub.f32 v3, v2;
	v2 =	vld [tilespmem:s28+$0x4000]  }
0x26: {  	v0 =	vld [tilespmem:s28+$0x0]  }
0x27: {  	s29 =	simm.s32 $0x30;
	v1 =	vmul.f32 $1.442695020e+00, v1  }
0x28: {  	v3 =	vld [tilespmem:s29+$0x4000]  }
0x29: {  	(erf) = vpow2.f32 v1;
	v1 =	vld [tilespmem:s29+$0x0];
	_ =	sdelay $0x1  }
0x2a: {  	v0 =	vsub.f32 v2, v0;
	_ =	sdelay $0x1  }
0x2b: {  	v0 =	vmul.f32 $1.442695020e+00, v0;
	v2 =	vpop (erf)  }
0x2c: {  	v1 =	vsub.f32 v3, v1;
	v2 =	vadd.f32 $1.000000000e+00, v2  }
0x2d: {  	(erf) = vpow2.f32 v0  }
0x2e: {  	s30 =	simm.s32 $0x40;
	v3 =	vmul.f32 $1.442695020e+00, v1;
	(erf) = vrcp.f32 v2  }
0x2f: {  	v1 =	vld [tilespmem:s30+$0x4000]  }
0x30: {  	v0 =	vld [tilespmem:s30+$0x0];
	v2 =	vpop (erf);
	(erf) = vpow2.f32 v3;
	_ =	sdelay $0x1  }
0x31: {  	v2 =	vadd.f32 $1.000000000e+00, v2  }
0x32: {  	s31 =	simm.s32 $0x140  }
.LBB2_2:
0x33: {  	s0 =	sshra.s32 s31, $0x2;
	(erf) = vrcp.f32 v2;
	p0 =	sne.s32 s31, $0x7FC0  }
.Ltmp0:
0x34: {  	v2 =	vsub.f32 v1, v0;
	v0 =	vld [tilespmem:s0+$0x0];
	(pc) =	sbr.rel @p0 .LBB2_2-.Ltmp0, $4  }
0x35: {  	s31 =	sadd.s32 $0x40, s31;
	v1 =	vld [tilespmem:s0+$0x4000];
	v3 =	vpop (erf)  }
0x36: {  	v4 =	vmul.f32 $1.442695020e+00, v2;
	v5 =	vpop (erf)  }
0x37: {  	v2 =	vadd.f32 $1.000000000e+00, v3;
	[tilespmem:s25+$0x8000] =	vst v5;
	s25 =	smov.u32 s26;
	s26 =	smov.u32 s28;
	s28 =	smov.u32 s29  }
0x38: {  	s29 =	smov.u32 s30;
	s30 =	smov.u32 s0;
	(erf) = vpow2.f32 v4  }
0x39: {  	_ = 	snop  }
0x3a: {  	v0 =	vsub.f32 v1, v0;
	_ =	sdelay $0x1  }
0x3b: {  	v0 =	vmul.f32 $1.442695020e+00, v0  }
0x3c: {  	(erf) = vrcp.f32 v2  }
0x3d: {  	(erf) = vpow2.f32 v0;
	_ =	sdelay $0x4  }
0x3e: {  	v0 =	vpop (erf)  }
0x3f: {  	v1 =	vpop (erf)  }
0x40: {  	v2 =	vpop (erf)  }
0x41: {  	v0 =	vadd.f32 $1.000000000e+00, v0;
	v3 =	vpop (erf)  }
0x42: {  	v2 =	vadd.f32 $1.000000000e+00, v2;
	v4 =	vpop (erf)  }
0x43: {  	(erf) = vrcp.f32 v0;
	v0 =	vadd.f32 $1.000000000e+00, v4  }
0x44: {  	(erf) = vrcp.f32 v2  }
0x45: {  	(erf) = vrcp.f32 v0;
	_ =	sdelay $0x5  }
0x46: {  	[tilespmem:s25+$0x8000] =	vst v1  }
0x47: {  	[tilespmem:s26+$0x8000] =	vst v3;
	v0 =	vpop (erf)  }
0x48: {  	[tilespmem:s28+$0x8000] =	vst v0;
	v0 =	vpop (erf)  }
0x49: {  	[tilespmem:s29+$0x8000] =	vst v0;
	v0 =	vpop (erf)  }
0x4a: {  	s0 =	simm.s32 $0x0;
	[tilespmem:s30+$0x8000] =	vst v0  }
0x4b: {  	[hbm4b:s7+s0] =	stream.linear.scatter [tilespmem:s20], [sflag:$0x2], $0x2000, $0x38;
	[tilespmem:$0xC000] =	vst v63  }
0x4c: {  	_ = 	snop  }
0x4d: {  	[tilespmem:s0], [sflag:$0x1] =	stream.linear.gather [hbm4b:s8+s0], $0x2000, $0x38;
	[tilespmem:$0xC000] =	vst v63  }
0x4e: {  	_ = 	snop  }
0x4f: {  	[tilespmem:s16], [sflag:$0x1] =	stream.linear.gather [hbm4b:s10+s0], $0x2000, $0x38;
	[tilespmem:$0xC000] =	vst v63  }
0x50: {  	_ =	swait.ge [sflag:s19], $0x2000  }
0x51: {  	[sflag:s19] =	ssyncset.done $0x0  }
0x52: {  	[sflag:s19] =	ssyncadd.s32 $0xFFFFE000  }
0x53: {  	_ =	swait.ge [sflag:s19], $0x2000  }
0x54: {  	[sflag:s19] =	ssyncset.done $0x0  }
0x55: {  	s25 =	simm.s32 $0x0;
	[sflag:s19] =	ssyncadd.s32 $0xFFFFE000  }
0x56: {  	v0 =	vld [tilespmem:s25+$0x2000]  }
0x57: {  	v1 =	vld [tilespmem:s25+$0x6000];
	_ =	sdelay $0x2  }
0x58: {  	s26 =	simm.s32 $0x10  }
0x59: {  	v2 =	vld [tilespmem:s26+$0x2000]  }
0x5a: {  	v3 =	vld [tilespmem:s26+$0x6000];
	v0 =	vsub.f32 v1, v0;
	_ =	sdelay $0x1  }
0x5b: {  	v0 =	vmul.f32 $1.442695020e+00, v0;
	_ =	sdelay $0x1  }
0x5c: {  	s28 =	simm.s32 $0x20;
	(erf) = vpow2.f32 v0  }
0x5d: {  	v1 =	vsub.f32 v3, v2;
	v2 =	vld [tilespmem:s28+$0x6000]  }
0x5e: {  	v0 =	vld [tilespmem:s28+$0x2000]  }
0x5f: {  	s29 =	simm.s32 $0x30;
	v1 =	vmul.f32 $1.442695020e+00, v1  }
0x60: {  	v3 =	vld [tilespmem:s29+$0x6000]  }
0x61: {  	(erf) = vpow2.f32 v1;
	v1 =	vld [tilespmem:s29+$0x2000];
	_ =	sdelay $0x1  }
0x62: {  	v0 =	vsub.f32 v2, v0;
	_ =	sdelay $0x1  }
0x63: {  	v0 =	vmul.f32 $1.442695020e+00, v0;
	v2 =	vpop (erf)  }
0x64: {  	v1 =	vsub.f32 v3, v1;
	v2 =	vadd.f32 $1.000000000e+00, v2  }
0x65: {  	(erf) = vpow2.f32 v0  }
0x66: {  	s30 =	simm.s32 $0x40;
	v3 =	vmul.f32 $1.442695020e+00, v1;
	(erf) = vrcp.f32 v2  }
0x67: {  	v1 =	vld [tilespmem:s30+$0x6000]  }
0x68: {  	v0 =	vld [tilespmem:s30+$0x2000];
	v2 =	vpop (erf);
	(erf) = vpow2.f32 v3;
	_ =	sdelay $0x1  }
0x69: {  	v2 =	vadd.f32 $1.000000000e+00, v2  }
0x6a: {  	s31 =	simm.s32 $0x140  }
.LBB2_4:
0x6b: {  	s0 =	sshra.s32 s31, $0x2;
	(erf) = vrcp.f32 v2;
	p0 =	sne.s32 s31, $0x7FC0  }
.Ltmp1:
0x6c: {  	v2 =	vsub.f32 v1, v0;
	v0 =	vld [tilespmem:s0+$0x2000];
	(pc) =	sbr.rel @p0 .LBB2_4-.Ltmp1, $4  }
0x6d: {  	s31 =	sadd.s32 $0x40, s31;
	v1 =	vld [tilespmem:s0+$0x6000];
	v3 =	vpop (erf)  }
0x6e: {  	v4 =	vmul.f32 $1.442695020e+00, v2;
	v5 =	vpop (erf)  }
0x6f: {  	v2 =	vadd.f32 $1.000000000e+00, v3;
	[tilespmem:s25+$0xA000] =	vst v5;
	s25 =	smov.u32 s26;
	s26 =	smov.u32 s28;
	s28 =	smov.u32 s29  }
0x70: {  	s29 =	smov.u32 s30;
	s30 =	smov.u32 s0;
	(erf) = vpow2.f32 v4  }
0x71: {  	_ = 	snop  }
0x72: {  	v0 =	vsub.f32 v1, v0;
	_ =	sdelay $0x1  }
0x73: {  	v0 =	vmul.f32 $1.442695020e+00, v0  }
0x74: {  	(erf) = vrcp.f32 v2  }
0x75: {  	(erf) = vpow2.f32 v0;
	_ =	sdelay $0x4  }
0x76: {  	v0 =	vpop (erf)  }
0x77: {  	v1 =	vpop (erf)  }
0x78: {  	v2 =	vpop (erf)  }
0x79: {  	v0 =	vadd.f32 $1.000000000e+00, v0;
	v3 =	vpop (erf)  }
0x7a: {  	v2 =	vadd.f32 $1.000000000e+00, v2;
	v4 =	vpop (erf)  }
0x7b: {  	(erf) = vrcp.f32 v0;
	v0 =	vadd.f32 $1.000000000e+00, v4  }
0x7c: {  	(erf) = vrcp.f32 v2  }
0x7d: {  	(erf) = vrcp.f32 v0;
	_ =	sdelay $0x5  }
0x7e: {  	[tilespmem:s25+$0xA000] =	vst v1  }
0x7f: {  	[tilespmem:s26+$0xA000] =	vst v3;
	v0 =	vpop (erf)  }
0x80: {  	[tilespmem:s28+$0xA000] =	vst v0;
	v0 =	vpop (erf)  }
0x81: {  	[tilespmem:s29+$0xA000] =	vst v0;
	v0 =	vpop (erf)  }
0x82: {  	s0 =	simm.s32 $0x0;
	[tilespmem:s30+$0xA000] =	vst v0  }
0x83: {  	[hbm4b:s11+s0] =	stream.linear.scatter [tilespmem:s21], [sflag:$0x3], $0x2000, $0x38;
	[tilespmem:$0xC000] =	vst v63  }
0x84: {  	_ = 	snop  }
0x85: {  	[tilespmem:s17], [sflag:$0x1] =	stream.linear.gather [hbm4b:s9+s0], $0x2000, $0x38;
	[tilespmem:$0xC000] =	vst v63  }
0x86: {  	_ = 	snop  }
0x87: {  	[tilespmem:s18], [sflag:$0x1] =	stream.linear.gather [hbm4b:s12+s0], $0x2000, $0x38;
	[tilespmem:$0xC000] =	vst v63  }
0x88: {  	_ =	swait.ge [sflag:s19], $0x2000  }
0x89: {  	[sflag:s19] =	ssyncset.done $0x0  }
0x8a: {  	[sflag:s19] =	ssyncadd.s32 $0xFFFFE000  }
0x8b: {  	_ =	swait.ge [sflag:s19], $0x2000  }
0x8c: {  	[sflag:s19] =	ssyncset.done $0x0  }
0x8d: {  	[sflag:s19] =	ssyncadd.s32 $0xFFFFE000  }
0x8e: {  	_ =	swait.ge [sflag:s22], $0x2000  }
0x8f: {  	[sflag:s22] =	ssyncset.done $0x0  }
0x90: {  	s25 =	simm.s32 $0x0;
	[sflag:s22] =	ssyncadd.s32 $0xFFFFE000  }
0x91: {  	v0 =	vld [tilespmem:s25+$0x0]  }
0x92: {  	v1 =	vld [tilespmem:s25+$0x4000];
	_ =	sdelay $0x2  }
0x93: {  	s26 =	simm.s32 $0x10  }
0x94: {  	v2 =	vld [tilespmem:s26+$0x0]  }
0x95: {  	v3 =	vld [tilespmem:s26+$0x4000];
	v0 =	vsub.f32 v1, v0;
	_ =	sdelay $0x1  }
0x96: {  	v0 =	vmul.f32 $1.442695020e+00, v0;
	_ =	sdelay $0x1  }
0x97: {  	s28 =	simm.s32 $0x20;
	(erf) = vpow2.f32 v0  }
0x98: {  	v1 =	vsub.f32 v3, v2;
	v2 =	vld [tilespmem:s28+$0x4000]  }
0x99: {  	v0 =	vld [tilespmem:s28+$0x0]  }
0x9a: {  	s29 =	simm.s32 $0x30;
	v1 =	vmul.f32 $1.442695020e+00, v1  }
0x9b: {  	v3 =	vld [tilespmem:s29+$0x4000]  }
0x9c: {  	(erf) = vpow2.f32 v1;
	v1 =	vld [tilespmem:s29+$0x0];
	_ =	sdelay $0x1  }
0x9d: {  	v0 =	vsub.f32 v2, v0;
	_ =	sdelay $0x1  }
0x9e: {  	v0 =	vmul.f32 $1.442695020e+00, v0;
	v2 =	vpop (erf)  }
0x9f: {  	v1 =	vsub.f32 v3, v1;
	v2 =	vadd.f32 $1.000000000e+00, v2  }
0xa0: {  	(erf) = vpow2.f32 v0  }
0xa1: {  	s30 =	simm.s32 $0x40;
	v3 =	vmul.f32 $1.442695020e+00, v1;
	(erf) = vrcp.f32 v2  }
0xa2: {  	v1 =	vld [tilespmem:s30+$0x4000]  }
0xa3: {  	v0 =	vld [tilespmem:s30+$0x0];
	v2 =	vpop (erf);
	(erf) = vpow2.f32 v3;
	_ =	sdelay $0x1  }
0xa4: {  	v2 =	vadd.f32 $1.000000000e+00, v2  }
0xa5: {  	s31 =	simm.s32 $0x140  }
.LBB2_6:
0xa6: {  	s0 =	sshra.s32 s31, $0x2;
	(erf) = vrcp.f32 v2;
	p0 =	sne.s32 s31, $0x7FC0  }
.Ltmp2:
0xa7: {  	v2 =	vsub.f32 v1, v0;
	v0 =	vld [tilespmem:s0+$0x0];
	(pc) =	sbr.rel @p0 .LBB2_6-.Ltmp2, $4  }
0xa8: {  	s31 =	sadd.s32 $0x40, s31;
	v1 =	vld [tilespmem:s0+$0x4000];
	v3 =	vpop (erf)  }
0xa9: {  	v4 =	vmul.f32 $1.442695020e+00, v2;
	v5 =	vpop (erf)  }
0xaa: {  	v2 =	vadd.f32 $1.000000000e+00, v3;
	[tilespmem:s25+$0x8000] =	vst v5;
	s25 =	smov.u32 s26;
	s26 =	smov.u32 s28;
	s28 =	smov.u32 s29  }
0xab: {  	s29 =	smov.u32 s30;
	s30 =	smov.u32 s0;
	(erf) = vpow2.f32 v4  }
0xac: {  	_ = 	snop  }
0xad: {  	v0 =	vsub.f32 v1, v0;
	_ =	sdelay $0x1  }
0xae: {  	v0 =	vmul.f32 $1.442695020e+00, v0  }
0xaf: {  	(erf) = vrcp.f32 v2  }
0xb0: {  	(erf) = vpow2.f32 v0;
	_ =	sdelay $0x4  }
0xb1: {  	v0 =	vpop (erf)  }
0xb2: {  	v1 =	vpop (erf)  }
0xb3: {  	v2 =	vpop (erf)  }
0xb4: {  	v0 =	vadd.f32 $1.000000000e+00, v0;
	v3 =	vpop (erf)  }
0xb5: {  	v2 =	vadd.f32 $1.000000000e+00, v2;
	v4 =	vpop (erf)  }
0xb6: {  	(erf) = vrcp.f32 v0;
	v0 =	vadd.f32 $1.000000000e+00, v4  }
0xb7: {  	(erf) = vrcp.f32 v2  }
0xb8: {  	(erf) = vrcp.f32 v0;
	_ =	sdelay $0x5  }
0xb9: {  	[tilespmem:s25+$0x8000] =	vst v1  }
0xba: {  	[tilespmem:s26+$0x8000] =	vst v3;
	v0 =	vpop (erf)  }
0xbb: {  	[tilespmem:s28+$0x8000] =	vst v0;
	v0 =	vpop (erf)  }
0xbc: {  	[tilespmem:s29+$0x8000] =	vst v0;
	v0 =	vpop (erf)  }
0xbd: {  	s0 =	simm.s32 $0x0;
	[tilespmem:s30+$0x8000] =	vst v0  }
0xbe: {  	[hbm4b:s13+s0] =	stream.linear.scatter [tilespmem:s20], [sflag:$0x2], $0x2000, $0x38;
	[tilespmem:$0xC000] =	vst v63  }
0xbf: {  	_ =	swait.ge [sflag:s19], $0x2000  }
0xc0: {  	[sflag:s19] =	ssyncset.done $0x0  }
0xc1: {  	[sflag:s19] =	ssyncadd.s32 $0xFFFFE000  }
0xc2: {  	_ =	swait.ge [sflag:s19], $0x2000  }
0xc3: {  	[sflag:s19] =	ssyncset.done $0x0  }
0xc4: {  	[sflag:s19] =	ssyncadd.s32 $0xFFFFE000  }
0xc5: {  	_ =	swait.ge [sflag:s23], $0x2000  }
0xc6: {  	[sflag:s23] =	ssyncset.done $0x0  }
0xc7: {  	s25 =	simm.s32 $0x0;
	[sflag:s23] =	ssyncadd.s32 $0xFFFFE000  }
0xc8: {  	v0 =	vld [tilespmem:s25+$0x2000]  }
0xc9: {  	v1 =	vld [tilespmem:s25+$0x6000];
	_ =	sdelay $0x2  }
0xca: {  	s26 =	simm.s32 $0x10  }
0xcb: {  	v2 =	vld [tilespmem:s26+$0x2000]  }
0xcc: {  	v3 =	vld [tilespmem:s26+$0x6000];
	v0 =	vsub.f32 v1, v0;
	_ =	sdelay $0x1  }
0xcd: {  	v0 =	vmul.f32 $1.442695020e+00, v0;
	_ =	sdelay $0x1  }
0xce: {  	s28 =	simm.s32 $0x20;
	(erf) = vpow2.f32 v0  }
0xcf: {  	v1 =	vsub.f32 v3, v2;
	v2 =	vld [tilespmem:s28+$0x6000]  }
0xd0: {  	v0 =	vld [tilespmem:s28+$0x2000]  }
0xd1: {  	s29 =	simm.s32 $0x30;
	v1 =	vmul.f32 $1.442695020e+00, v1  }
0xd2: {  	v3 =	vld [tilespmem:s29+$0x6000]  }
0xd3: {  	(erf) = vpow2.f32 v1;
	v1 =	vld [tilespmem:s29+$0x2000];
	_ =	sdelay $0x1  }
0xd4: {  	v0 =	vsub.f32 v2, v0;
	_ =	sdelay $0x1  }
0xd5: {  	v0 =	vmul.f32 $1.442695020e+00, v0;
	v2 =	vpop (erf)  }
0xd6: {  	v1 =	vsub.f32 v3, v1;
	v2 =	vadd.f32 $1.000000000e+00, v2  }
0xd7: {  	(erf) = vpow2.f32 v0  }
0xd8: {  	s30 =	simm.s32 $0x40;
	v3 =	vmul.f32 $1.442695020e+00, v1;
	(erf) = vrcp.f32 v2  }
0xd9: {  	v1 =	vld [tilespmem:s30+$0x6000]  }
0xda: {  	v0 =	vld [tilespmem:s30+$0x2000];
	v2 =	vpop (erf);
	(erf) = vpow2.f32 v3;
	_ =	sdelay $0x1  }
0xdb: {  	v2 =	vadd.f32 $1.000000000e+00, v2  }
0xdc: {  	s31 =	simm.s32 $0x140  }
.LBB2_8:
0xdd: {  	s0 =	sshra.s32 s31, $0x2;
	(erf) = vrcp.f32 v2;
	p0 =	sne.s32 s31, $0x7FC0  }
.Ltmp3:
0xde: {  	v2 =	vsub.f32 v1, v0;
	v0 =	vld [tilespmem:s0+$0x2000];
	(pc) =	sbr.rel @p0 .LBB2_8-.Ltmp3, $4  }
0xdf: {  	s31 =	sadd.s32 $0x40, s31;
	v1 =	vld [tilespmem:s0+$0x6000];
	v3 =	vpop (erf)  }
0xe0: {  	v4 =	vmul.f32 $1.442695020e+00, v2;
	v5 =	vpop (erf)  }
0xe1: {  	v2 =	vadd.f32 $1.000000000e+00, v3;
	[tilespmem:s25+$0xA000] =	vst v5;
	s25 =	smov.u32 s26;
	s26 =	smov.u32 s28;
	s28 =	smov.u32 s29  }
0xe2: {  	s29 =	smov.u32 s30;
	s30 =	smov.u32 s0;
	(erf) = vpow2.f32 v4  }
0xe3: {  	_ = 	snop  }
0xe4: {  	v0 =	vsub.f32 v1, v0;
	_ =	sdelay $0x1  }
0xe5: {  	v0 =	vmul.f32 $1.442695020e+00, v0  }
0xe6: {  	(erf) = vrcp.f32 v2  }
0xe7: {  	(erf) = vpow2.f32 v0;
	_ =	sdelay $0x4  }
0xe8: {  	v57 =	vpop (erf)  }
0xe9: {  	v58 =	vpop (erf)  }
0xea: {  	v59 =	vpop (erf)  }
0xeb: {  	v0 =	vadd.f32 $1.000000000e+00, v57;
	v3 =	vpop (erf)  }
0xec: {  	v2 =	vadd.f32 $1.000000000e+00, v59;
	v4 =	vpop (erf)  }
0xed: {  	(erf) = vrcp.f32 v0;
	v60 =	vadd.f32 $1.000000000e+00, v4  }
0xee: {  	(erf) = vrcp.f32 v2  }
0xef: {  	(erf) = vrcp.f32 v60;
	_ =	sdelay $0x5  }
0xf0: {  	[tilespmem:s25+$0xA000] =	vst v58  }
0xf1: {  	[tilespmem:s26+$0xA000] =	vst v3;
	v61 =	vpop (erf)  }
0xf2: {  	[tilespmem:s28+$0xA000] =	vst v61;
	v62 =	vpop (erf)  }
0xf3: {  	[tilespmem:s29+$0xA000] =	vst v62;
	v63 =	vpop (erf)  }
0xf4: {  	s24 =	sadd.s32 $0x1, s24;
	[tilespmem:s30+$0xA000] =	vst v63  }
0xf5: {  	[hbm4b:s14+s2] =	stream.linear.scatter [tilespmem:s21], [sflag:$0x3], $0x2000, $0x38;
	[tilespmem:$0xC000] =	vst v63  }
0xf6: {  	p0 =	sne.s32 s24, s15;
	_ =	swait.ge [sflag:s22], $0x2000  }
.Ltmp4:
0xf7: {  	[sflag:s22] =	ssyncset.done $0x0;
	(pc) =	sbr.rel @p0 .LBB2_1-.Ltmp4, $4  }
0xf8: {  	[sflag:s22] =	ssyncadd.s32 $0xFFFFE000  }
0xf9: {  	_ =	swait.ge [sflag:s23], $0x2000  }
0xfa: {  	[sflag:s23] =	ssyncset.done $0x0  }
0xfb: {  	[sflag:s23] =	ssyncadd.s32 $0xFFFFE000  }
0xfc: {  	_ =	sfence.sel $0x180000  }
0xfd: {  	[bflag:$0x0] =	sbarrier.arrive $0xFFFF  }
0xfe: {  	_ =	strace $0x90000047  }
0xff: {  	[bflag:$0x2] =	sbarrier.arrive $0xFFFF  }
0x100: {  	p0 =	sne.s32 s1, $0x0;
	s0 =	rddreg [dreg:$0x2]  }
0x101: {  	s0 =	sadd.s32 @!p0 $0x100000, s0  }
0x102: {  	[sflag:s0] =	ssyncadd.tile.s32 @!p0 $0x1;
	_ =	shalt  }
.Lfunc_end2:
_tile_overlayer_lowered:
.L_overlay_start_2:
0x103: {  	(tag) =	ssettag $0x2  }
0x104: {  	s0 =	rddreg [dreg:$0x0];
	s2 =	stileid.u32  }
0x105: {  	s1 =	rddreg [dreg:$0x1];
	p0 =	sne.s32 s2, $0x0  }
0x106: {  	s3 =	rddreg [dreg:$0x2];
	[bflag:$0x3] =	sbarrier.arrive $0xFFFF;
	s2 =	simm.s32 @!p0 $0x1C04  }
0x107: {  	[timem:s3], [sflag:s2] =	dma.local @!p0 [hbm:s0], s1  }
0x108: {  	s0 =	simm.s32 @!p0 $0x4  }
0x109: {  	_ =	swait.ge @!p0 [sflag:s0], s1  }
0x10a: {  	s1 =	ssub.s32 @!p0 $0x0, s1;
	[sflag:s0] =	ssyncset.done @!p0 $0x0  }
0x10b: {  	[sflag:s0] =	ssyncadd.s32 @!p0 s1  }
0x10c: {  	[bflag:$0x3] =	sbarrier.arrive $0xFFFF  }
0x10d: {  	_ =	shalt  }

// kernel: kernel.7.cloned.1.call-start
scs
__scs_entry_jumppad:
0x0: {  	(pc) =	sbr.rel $0x88, $3  }
0x1: {  	(tag) =	ssettag $0x0;
	lr =	simm.s32 $0x1  }
0x2: {  	[smem:$0x3F9F] =	sst lr;
	_ =	strace $0xD0000000  }
0x3: {  	_ = 	snop  }
0x4: {  	_ = 	snop  }
0x5: {  	_ = 	snop  }
0x6: {  	_ = 	snop  }
0x7: {  	_ = 	snop  }
__scs_overlays_trampoline_lowered:
0x8: {  	[smem:$0x3FAE] =	sst s0  }
0x9: {  	[smem:$0x3FAF] =	sst s1  }
0xa: {  	[smem:$0x3FB0] =	sst s2  }
0xb: {  	[smem:$0x3FB1] =	sst s3  }
0xc: {  	[smem:$0x3FB2] =	sst s4  }
0xd: {  	[smem:$0x3FB3] =	sst s5  }
0xe: {  	[smem:$0x3FB4] =	sst s6  }
0xf: {  	[smem:$0x3FB5] =	sst s7  }
0x10: {  	[smem:$0x3FB6] =	sst s8  }
0x11: {  	[smem:$0x3FB7] =	sst s9;
	s0 =	simm.s32 @!p0 $0x0  }
0x12: {  	s1 =	sld [smem:$0x3F9D];
	s0 =	simm.s32 @p0 $0x1  }
0x13: {  	[smem:$0x3FB8] =	sst s0;
	s0 =	simm.s32 @!p1 $0x0  }
0x14: {  	s2 =	sld [smem:$0x3F9C];
	s0 =	simm.s32 @p1 $0x1  }
0x15: {  	[smem:$0x3FB9] =	sst s0;
	s0 =	simm.s32 @!p2 $0x0  }
0x16: {  	s3 =	sld [smem:$0x3FDB];
	s0 =	simm.s32 @p2 $0x1  }
0x17: {  	s4 =	simm.s32 $0x1BF5;
	[smem:$0x3FBB] =	sst s0  }
0x18: {  	s0 =	sld [smem:$0x3F9E];
	_ =	swait.ge [sflag:s4], $0x0  }
0x19: {  	s7 =	sld [smem:$0x3F9F]  }
0x1a: {  	s8 =	sadd.s32 $0xFFFFE003, lr  }
0x1b: {  	s9 =	sadd.s32 $0xFFFFFEF7, lr;
	s5 =	simm.s32 $0xFFFFFFFF;
	p2 =	slt.u32 s8, $0xFFFFF086  }
0x1c: {  	p1 =	slt.u32 s9, $0xF7A;
	s5 =	simm.s32 @!p2 $0x0  }
0x1d: {  	s5 =	simm.s32 @p1 $0x1;
	p0 =	seq.s32 s7, s2  }
0x1e: {  	s7 =	smul.u32 @!p0 $0xF7A, s2;
	p2 =	seq.s32 @!p0 s5, $0x0  }
0x1f: {  	s9 =	smul.u32 $0xF7A, s1;
	s8 =	simm.s32 @!p0 $0x1BF5;
	p2 =	por !p2, p0  }
0x20: {  	[sflag:s8] =	ssyncset.s32 @!p0 $0xFFFFF086;
	s6 =	sadd.s32 @!p0 s3, s7;
	s7 =	simm.s32 @!p0 $0x108  }
0x21: {  	s3 =	sadd.s32 s3, s9;
	s6 =	sadd.s32 @!p0 $0x88, s6;
	s7 =	simm.s32 @p2 $0x1082  }
0x22: {  	[simem:s7], [sflag:s8] =	dma.local @!p0 [hbm:s6], $0xF7A  }
0x23: {  	s9 =	sor.u32 $0xD0000000, s2;
	s6 =	simm.s32 $0x108;
	_ =	swait.ge @!p0 [sflag:s8], $0x0  }
0x24: {  	s3 =	sadd.s32 $0x88, s3;
	s6 =	simm.s32 @!p1 $0x1082;
	[sflag:s4] =	ssyncset.s32 $0xFFFFF086  }
0x25: {  	[simem:s6], [sflag:s4] =	dma.local [hbm:s3], $0xF7A  }
0x26: {  	[smem:$0x3F9F] =	sst s1;
	(tag) =	ssettag s2;
	_ =	strace s9  }
0x27: {  	s1 =	sld [smem:$0x3FAF]  }
0x28: {  	s2 =	sld [smem:$0x3FB0]  }
0x29: {  	s4 =	sld [smem:$0x3FB2]  }
0x2a: {  	p0 =	seq.s32 s5, $0x0;
	s5 =	sld [smem:$0x3FB3]  }
0x2b: {  	s6 =	sld [smem:$0x3FB4]  }
0x2c: {  	s7 =	sld [smem:$0x3FB5]  }
0x2d: {  	s3 =	simm.s32 $0x108;
	s8 =	sld [smem:$0x3FB6]  }
0x2e: {  	s3 =	simm.s32 @!p0 $0x1082;
	s9 =	sld [smem:$0x3FB7]  }
0x2f: {  	lr =	sadd.s32 s0, s3;
	s0 =	sld [smem:$0x3FAE]  }
0x30: {  	s3 =	sld [smem:$0x3FB1]  }
0x31: {  	[smem:$0x3FBA] =	sst s10  }
0x32: {  	s10 =	sld [smem:$0x3FB8];
	_ =	sdelay $0x3  }
0x33: {  	p0 =	seq.s32 s10, $0x1;
	s10 =	sld [smem:$0x3FBA];
	_ =	sdelay $0x3  }
0x34: {  	[smem:$0x3FBA] =	sst s10  }
0x35: {  	s10 =	sld [smem:$0x3FB9];
	_ =	sdelay $0x3  }
0x36: {  	p1 =	seq.s32 s10, $0x1;
	s10 =	sld [smem:$0x3FBA];
	_ =	sdelay $0x3  }
0x37: {  	[smem:$0x3FBA] =	sst s10  }
0x38: {  	s10 =	sld [smem:$0x3FBB]  }
0x39: {  	_ = 	snop;
	(pc) =	sbr.ind lr, $3  }
0x3a: {  	_ = 	snop  }
0x3b: {  	_ = 	snop  }
0x3c: {  	p2 =	seq.s32 s10, $0x1;
	s10 =	sld [smem:$0x3FBA]  }
0x3d: {  	_ =	shalt  }
0x3e: {  	_ =	shalt  }
0x3f: {  	_ =	shalt  }
0x40: {  	_ =	shalt  }
0x41: {  	_ =	shalt  }
0x42: {  	_ =	shalt  }
0x43: {  	_ =	shalt  }
0x44: {  	_ =	shalt  }
0x45: {  	_ =	shalt  }
0x46: {  	_ =	shalt  }
0x47: {  	_ =	shalt  }
0x48: {  	_ =	shalt  }
0x49: {  	_ =	shalt  }
0x4a: {  	_ =	shalt  }
0x4b: {  	_ =	shalt  }
0x4c: {  	_ =	shalt  }
0x4d: {  	_ =	shalt  }
0x4e: {  	_ =	shalt  }
0x4f: {  	_ =	shalt  }
0x50: {  	_ =	shalt  }
0x51: {  	_ =	shalt  }
0x52: {  	_ =	shalt  }
0x53: {  	_ =	shalt  }
0x54: {  	_ =	shalt  }
0x55: {  	_ =	shalt  }
0x56: {  	_ =	shalt  }
0x57: {  	_ =	shalt  }
0x58: {  	_ =	shalt  }
0x59: {  	_ =	shalt  }
0x5a: {  	_ =	shalt  }
0x5b: {  	_ =	shalt  }
0x5c: {  	_ =	shalt  }
0x5d: {  	_ =	shalt  }
0x5e: {  	_ =	shalt  }
0x5f: {  	_ =	shalt  }
0x60: {  	_ =	shalt  }
0x61: {  	_ =	shalt  }
0x62: {  	_ =	shalt  }
0x63: {  	_ =	shalt  }
0x64: {  	_ =	shalt  }
0x65: {  	_ =	shalt  }
0x66: {  	_ =	shalt  }
0x67: {  	_ =	shalt  }
0x68: {  	_ =	shalt  }
0x69: {  	_ =	shalt  }
0x6a: {  	_ =	shalt  }
0x6b: {  	_ =	shalt  }
0x6c: {  	_ =	shalt  }
0x6d: {  	_ =	shalt  }
0x6e: {  	_ =	shalt  }
0x6f: {  	_ =	shalt  }
0x70: {  	_ =	shalt  }
0x71: {  	_ =	shalt  }
0x72: {  	_ =	shalt  }
0x73: {  	_ =	shalt  }
0x74: {  	_ =	shalt  }
0x75: {  	_ =	shalt  }
0x76: {  	_ =	shalt  }
0x77: {  	_ =	shalt  }
0x78: {  	_ =	shalt  }
0x79: {  	_ =	shalt  }
0x7a: {  	_ =	shalt  }
0x7b: {  	_ =	shalt  }
0x7c: {  	_ =	shalt  }
0x7d: {  	_ =	shalt  }
0x7e: {  	_ =	shalt  }
0x7f: {  	_ =	shalt  }
0x80: {  	_ =	shalt  }
0x81: {  	_ =	shalt  }
0x82: {  	_ =	shalt  }
0x83: {  	_ =	shalt  }
0x84: {  	_ =	shalt  }
0x85: {  	_ =	shalt  }
0x86: {  	_ =	shalt  }
0x87: {  	_ =	shalt  }
.Lfunc_end0:
.L_simem_size_0:
called_computation.1_lowered:
.L_overlay_start_0:
0x88: {  	s2 =	sld [smem:$0x3FD9]  }
0x89: {  	s3 =	sld [smem:$0x3FFE];
	_ =	sdelay $0x1  }
0x8a: {  	s1 =	srdreg.scid  }
0x8b: {  	s0 =	sand.u32 $0x1, s1  }
0x8c: {  	s17 =	sshll.u32 s0, $0xA;
	s2 =	sadd.s32 s3, s2  }
0x8d: {  	s2 =	sadd.s32 s2, s17  }
0x8e: {  	[smem:$0x3FC6] =	sst s2  }
0x8f: {  	_ = 	snop  }
0x90: {  	s2 =	sld [smem:$0x3FD0];
	(tm) =	ssettm $0x1  }
0x91: {  	s18 =	sld [smem:$0x3FFB];
	_ =	sdelay $0x3  }
0x92: {  	_ =	strace s18  }
0x93: {  	s3 =	sld [smem:$0x3FFC];
	_ =	sdelay $0x3  }
0x94: {  	_ =	strace s3  }
0x95: {  	s3 =	sld [smem:$0x3FFD];
	_ =	sdelay $0x3  }
0x96: {  	_ =	strace s3  }
0x97: {  	_ =	strace $0x8FFFFFFF  }
0x98: {  	s19 =	sld [smem:$0x3FDB];
	_ =	sdelay $0x1  }
0x99: {  	s4 =	simm.s32 $_scs_section_size  }
0x9a: {  	s5 =	simm.s32 $_size__tile_overlayer_lowered;
	s6 =	simm.s32 $_tile_overlayer_lowered  }
0x9b: {  	s22 =	simm.s32 $0x1BFF;
	s21 =	sshll.u32 s6, $0x1;
	s3 =	sadd.s32 s4, s19  }
0x9c: {  	s7 =	simm.s32 $0x0;
	s20 =	sshll.u32 s5, $0x1;
	s5 =	sadd.s32 s21, s3  }
0x9d: {  	[timem:s7], [sflag:s22] =	dma.local [hbm:s5], s20  }
0x9e: {  	_ =	swait.ge [sflag:s22], s20  }
0x9f: {  	s4 =	ssub.s32 $0x0, s20;
	[sflag:s22] =	ssyncset.done $0x0  }
0xa0: {  	[sflag:s22] =	ssyncadd.s32 s4;
	_ =	sdelay $0x1  }
0xa1: {  	s23 =	simm.s32 $0x1B8B  }
0xa2: {  	_ =	swait.ge [sflag:s23], $0x1  }
0xa3: {  	[sflag:s23] =	ssyncset.done $0x0  }
0xa4: {  	s25 =	simm.s32 $0x1B8E;
	s24 =	sld [smem:$0x3FFE];
	[sflag:s23] =	ssyncadd.s32 $0xFFFFFFFF  }
0xa5: {  	s26 =	simm.s32 $execute0_lowered;
	[smem:$0x3FD2] =	sst s25  }
0xa6: {  	s5 =	sshll.u32 s26, $0x1;
	_ =	strace $0x80000049;
	[dreg:$0x1] =	wrdreg $0xFFFFFFFF  }
0xa7: {  	s28 =	simm.s32 $_size_execute0_lowered;
	s3 =	sadd.s32 s3, s5;
	[dreg:$0x0] =	wrdreg $0x0  }
0xa8: {  	s5 =	sshll.u32 s28, $0x1;
	[dreg:$0x2] =	wrdreg s3  }
0xa9: {  	[dreg:$0x3] =	wrdreg s5  }
0xaa: {  	[dreg:$0x4] =	wrdreg $0xC0  }
0xab: {  	_ =	task [dreg:s7], $0x5FFFF  }
0xac: {  	[dreg:$0x1] =	wrdreg $0xFFFFFFFF  }
0xad: {  	[dreg:$0x0] =	wrdreg $0x60  }
0xae: {  	[dreg:$0x2] =	wrdreg s24  }
0xaf: {  	[dreg:$0x3] =	wrdreg s2  }
0xb0: {  	[dreg:$0x4] =	wrdreg $0x9  }
0xb1: {  	_ =	task.clear_ibuf [dreg:s7], $0x5FFFF;
	_ =	strace $0x90000049  }
0xb2: {  	s29 =	simm.s32 $0x9;
	_ =	strace $0x8000004B  }
0xb3: {  	_ =	swait.ge [sflag:s29], $0x1  }
0xb4: {  	[sflag:s29] =	ssyncadd.s32 $0xFFFFFFFF  }
0xb5: {  	_ =	strace $0x9000004B  }
0xb6: {  	_ =	sfence  }
0xb7: {  	s30 =	sld [smem:$0x0];
	_ =	sdelay $0x2  }
0xb8: {  	s31 =	sshll.u32 s1, $0xD;
	s1 =	sshrl.u32 s1, $0x2  }
0xb9: {  	s3 =	sand.u32 $0x4000, s31;
	s1 =	sadd.s32 s1, s30  }
0xba: {  	s0 =	sor.u32 s3, s0;
	s1 =	sshll.u32 s1, $0x11  }
0xbb: {  	s0 =	sor.u32 s1, s0  }
0xbc: {  	s0 =	sadd.s32 $0x8F2B, s0  }
0xbd: {  	[sflag:s0] =	ssyncadd.remote.s32 $0x1  }
0xbe: {  	_ =	sfence.sel $0xFFFF  }
0xbf: {  	[dreg:$0x0] =	wrdreg $0xFFFFFFFF;
	(pc) =	sbr.abs _section_cstart, $3  }
0xc0: {  	[dreg:$0x1] =	wrdreg $0xFFFFFFFF  }
0xc1: {  	_ =	task.clear_ibuf [dreg:s7], $0x2FFFF;
	_ =	strace $0x9FFFFFFF  }
0xc2: {  	(tm) =	ssettm $0x7FFFFFFF  }
0xc3: {  	_ =	shalt  }
tec
execute0_lowered:
.L_overlay_start_1:
0x0: {  	(tag) =	ssettag $0x1  }
0x1: {  	s0 =	rddreg [dreg:$0x0]  }
0x2: {  	s1 =	rddreg [dreg:$0x1];
	s2 =	srdreg.scid  }
0x3: {  	s3 =	stileid.u32;
	s4 =	simm.s32 $0x0;
	s28 =	simm.s32 $0x2  }
0x4: {  	s29 =	simm.s32 $0x14000;
	s30 =	simm.s32 $0x19000;
	s31 =	simm.s32 $0x3  }
0x5: {  	s2 =	sand.u32 $0x1, s2;
	s3 =	sshll.u32 s3, $0x1;
	[smem:$0x7FF] =	sst s4  }
0x6: {  	s14 =	sadd.s32 $0x20200, s0;
	s18 =	sadd.s32 $0x10, s1;
	s19 =	sor.u32 s2, s3  }
0x7: {  	_ =	strace $0x8000004A;
	s20 =	ssub.s32 $0x2, s2;
	s11 =	smul.u32 $0x320, s19  }
0x8: {  	s3 =	sadd.s32 $0x1800, s0;
	s2 =	sshrl.u32 s20, $0x1;
	s5 =	smul.u32 $0x3200, s19  }
0x9: {  	s4 =	smul.u32 $0x6400, s19;
	s0 =	ssub.s32 s20, s2;
	s20 =	simm.s32 $0x4  }
0xa: {  	s9 =	sadd.s32 $0xA0, s11;
	s5 =	sadd.s32 s14, s5;
	s22 =	sadd.s32 $0x140, s11  }
0xb: {  	s6 =	sadd.s32 s1, s4;
	s7 =	sadd.s32 s4, s18;
	s24 =	sadd.s32 $0x1E0, s11  }
0xc: {  	s17 =	sadd.s32 $0x280, s11;
	s19 =	smax.u32 s0, $0x1;
	s0 =	simm.s32 $0x0  }
0xd: {  	s21 =	sshll.u32 s9, $0x4;
	[dreg:$0x3] =	wrdreg s5;
	s8 =	sshll.u32 s22, $0x4  }
0xe: {  	s23 =	sshll.u32 s9, $0x5;
	s12 =	sshll.u32 s24, $0x4;
	s2 =	sshll.u32 s22, $0x5  }
0xf: {  	s15 =	sshll.u32 s17, $0x4;
	s25 =	sshll.u32 s24, $0x5;
	s26 =	sshll.u32 s17, $0x5  }
0x10: {  	s22 =	simm.s32 $0x1;
	s24 =	simm.s32 $0x100;
	s5 =	sadd.s32 s14, s21  }
0x11: {  	s8 =	sadd.s32 s14, s8;
	s9 =	sadd.s32 s1, s23;
	s10 =	sadd.s32 s23, s18  }
0x12: {  	s11 =	sadd.s32 s14, s12;
	s12 =	sadd.s32 s1, s2;
	s13 =	sadd.s32 s2, s18  }
0x13: {  	s14 =	sadd.s32 s14, s15;
	s15 =	sadd.s32 s1, s25;
	s16 =	sadd.s32 s25, s18  }
0x14: {  	s17 =	sadd.s32 s1, s26;
	s18 =	sadd.s32 s26, s18;
	s21 =	simm.s32 $0x80  }
0x15: {  	s23 =	simm.s32 $0x5000;
	s25 =	simm.s32 $0xA000;
	s26 =	simm.s32 $0xF000  }
.LBB2_1:
0x16: {  	s1 =	simm.s32 $0x0;
	s2 =	rddreg [dreg:$0x3]  }
0x17: {  	[tilespmem:s1], [sflag:$0x4] =	stream.linear.gather [hbm4b:s2+s1], $0x5000, $0x38;
	[tilespmem:$0x1E000] =	vst v63  }
0x18: {  	_ =	swait.ge [sflag:s20], $0x5000  }
0x19: {  	[sflag:s20] =	ssyncset.done $0x0  }
0x1a: {  	s1 =	simm.s32 $0x0;
	[sflag:s20] =	ssyncadd.s32 $0xFFFFB000  }
.LBB2_2:
0x1b: {  	p0 =	sne.s32 s1, $0x13E00  }
.Ltmp0:
0x1c: {  	_ = 	snop;
	(pc) =	sbr.rel @p0 .LBB2_2-.Ltmp0, $4  }
0x1d: {  	_ = 	snop  }
0x1e: {  	s2 =	sshra.s32 s1, $0x2  }
0x1f: {  	s1 =	sadd.s32 $0x200, s1;
	s4 =	sadd.s32 $0xA000, s2  }
0x20: {  	[tilespmem:s4], [sflag:$0x1] =	stream.indirect.gather [hbm4b:s3+s21], $0x1, s2, s21, $0xb8;
	[tilespmem:$0x1E000] =	vst v63  }
0x21: {  	_ =	swait.ge [sflag:s22], $0x80  }
0x22: {  	s1 =	simm.s32 $0x9F;
	[sflag:s22] =	ssyncset.done $0x0  }
.LBB2_4:
0x23: {  	p0 =	sne.s32 s1, $0x1;
	s1 =	sadd.s32 $0xFFFFFFFF, s1;
	[sflag:s22] =	ssyncadd.s32 $0xFFFFFF80  }
.Ltmp1:
0x24: {  	(pc) =	sbr.rel @p0 .LBB2_4-.Ltmp1, $3  }
0x25: {  	_ =	sdelay $0x1  }
0x26: {  	_ =	swait.ge [sflag:s22], $0x80  }
0x27: {  	[sflag:s22] =	ssyncset.done $0x0  }
0x28: {  	[sflag:s22] =	ssyncadd.s32 $0xFFFFFF80;
	s1 =	simm.s32 $0x0  }
0x29: {  	[tilespmem:s23], [sflag:$0x4] =	stream.linear.gather [hbm4b:s5+s1], $0x5000, $0x38;
	[tilespmem:$0x1E000] =	vst v63  }
0x2a: {  	_ =	swait.ge [sflag:s20], $0x5000  }
0x2b: {  	s2 =	simm.s32 $0x14000;
	[sflag:s20] =	ssyncset.done $0x0  }
0x2c: {  	s4 =	simm.s32 $0x5000;
	s1 =	simm.s32 $0x200;
	[sflag:s20] =	ssyncadd.s32 $0xFFFFB000  }
.LBB2_6:
0x2d: {  	[tilespmem:s2], [sflag:$0x1] =	stream.indirect.gather [hbm4b:s3+s21], $0x1, s4, s21, $0xb8;
	[tilespmem:$0x1E000] =	vst v63  }
0x2e: {  	s2 =	smov.u32 s1;
	p0 =	sne.s32 s1, $0x13E00  }
.Ltmp2:
0x2f: {  	s1 =	sadd.s32 $0x200, s1;
	(pc) =	sbr.rel @p0 .LBB2_6-.Ltmp2, $3  }
0x30: {  	_ =	sdelay $0x1  }
0x31: {  	s4 =	sshra.s32 s2, $0x2  }
0x32: {  	s2 =	sadd.s32 $0x14000, s4;
	s4 =	sadd.s32 $0x5000, s4  }
0x33: {  	[tilespmem:s2], [sflag:$0x1] =	stream.indirect.gather [hbm4b:s3+s21], $0x1, s4, s21, $0xb8;
	[tilespmem:$0x1E000] =	vst v63  }
0x34: {  	s1 =	simm.s32 $0x0  }
0x35: {  	v0 =	vld [tilespmem:s1+$0xA000]  }
0x36: {  	s2 =	simm.s32 $0x40  }
.LBB2_8:
0x37: {  	p0 =	sne.s32 s2, $0x13FC0  }
.Ltmp3:
0x38: {  	_ = 	snop;
	(pc) =	sbr.rel @p0 .LBB2_8-.Ltmp3, $4  }
0x39: {  	_ = 	snop  }
0x3a: {  	s4 =	sshra.s32 s2, $0x2;
	s2 =	sadd.s32 $0x40, s2;
	v1 =	vsub.f32 $1.000000000e+00, v0  }
0x3b: {  	v0 =	vld [tilespmem:s4+$0xA000]  }
0x3c: {  	[tilespmem:s1+$0xF000] =	vst v1;
	s1 =	smov.u32 s4  }
0x3d: {  	_ =	sdelay $0x2  }
0x3e: {  	v0 =	vsub.f32 $1.000000000e+00, v0;
	_ =	sdelay $0x1  }
0x3f: {  	[tilespmem:s1+$0xF000] =	vst v0  }
0x40: {  	[hbm4b:s6+s21] =	stream.strided.scatter [tilespmem:s25], [sflag:$0x2], $0x5000, s24, s21, $0x38;
	[tilespmem:$0x1E000] =	vst v63  }
0x41: {  	_ = 	snop  }
0x42: {  	[hbm4b:s7+s21] =	stream.strided.scatter [tilespmem:s26], [sflag:$0x2], $0x5000, s24, s21, $0x38;
	[tilespmem:$0x1E000] =	vst v63  }
0x43: {  	_ =	swait.ge [sflag:s22], $0x80  }
0x44: {  	s1 =	simm.s32 $0x9F;
	[sflag:s22] =	ssyncset.done $0x0  }
.LBB2_10:
0x45: {  	p0 =	sne.s32 s1, $0x1;
	s1 =	sadd.s32 $0xFFFFFFFF, s1;
	[sflag:s22] =	ssyncadd.s32 $0xFFFFFF80  }
.Ltmp4:
0x46: {  	(pc) =	sbr.rel @p0 .LBB2_10-.Ltmp4, $3  }
0x47: {  	_ =	sdelay $0x1  }
0x48: {  	_ =	swait.ge [sflag:s22], $0x80  }
0x49: {  	[sflag:s22] =	ssyncset.done $0x0  }
0x4a: {  	[sflag:s22] =	ssyncadd.s32 $0xFFFFFF80;
	s1 =	simm.s32 $0x0  }
0x4b: {  	[tilespmem:s1], [sflag:$0x4] =	stream.linear.gather [hbm4b:s8+s1], $0x5000, $0x38;
	[tilespmem:$0x1E000] =	vst v63  }
0x4c: {  	_ =	swait.ge [sflag:s20], $0x5000  }
0x4d: {  	[sflag:s20] =	ssyncset.done $0x0  }
0x4e: {  	[sflag:s20] =	ssyncadd.s32 $0xFFFFB000  }
0x4f: {  	_ =	swait.ge [sflag:s28], $0x5000  }
0x50: {  	[sflag:s28] =	ssyncset.done $0x0  }
0x51: {  	[sflag:s28] =	ssyncadd.s32 $0xFFFFB000  }
0x52: {  	_ =	swait.ge [sflag:s28], $0x5000  }
0x53: {  	s2 =	simm.s32 $0x0;
	[sflag:s28] =	ssyncset.done $0x0  }
0x54: {  	s4 =	simm.s32 $0xA000;
	s1 =	simm.s32 $0x200;
	[sflag:s28] =	ssyncadd.s32 $0xFFFFB000  }
.LBB2_12:
0x55: {  	[tilespmem:s4], [sflag:$0x1] =	stream.indirect.gather [hbm4b:s3+s21], $0x1, s2, s21, $0xb8;
	[tilespmem:$0x1E000] =	vst v63  }
0x56: {  	s2 =	smov.u32 s1;
	p0 =	sne.s32 s1, $0x13E00  }
.Ltmp5:
0x57: {  	s1 =	sadd.s32 $0x200, s1;
	(pc) =	sbr.rel @p0 .LBB2_12-.Ltmp5, $3  }
0x58: {  	_ =	sdelay $0x1  }
0x59: {  	s2 =	sshra.s32 s2, $0x2  }
0x5a: {  	s4 =	sadd.s32 $0xA000, s2  }
0x5b: {  	[tilespmem:s4], [sflag:$0x1] =	stream.indirect.gather [hbm4b:s3+s21], $0x1, s2, s21, $0xb8;
	[tilespmem:$0x1E000] =	vst v63  }
0x5c: {  	s1 =	simm.s32 $0x0  }
0x5d: {  	v0 =	vld [tilespmem:s1+$0x14000]  }
0x5e: {  	s2 =	simm.s32 $0x40  }
.LBB2_14:
0x5f: {  	p0 =	sne.s32 s2, $0x13FC0  }
.Ltmp6:
0x60: {  	_ = 	snop;
	(pc) =	sbr.rel @p0 .LBB2_14-.Ltmp6, $4  }
0x61: {  	_ = 	snop  }
0x62: {  	s4 =	sshra.s32 s2, $0x2;
	s2 =	sadd.s32 $0x40, s2;
	v1 =	vsub.f32 $1.000000000e+00, v0  }
0x63: {  	v0 =	vld [tilespmem:s4+$0x14000]  }
0x64: {  	[tilespmem:s1+$0x19000] =	vst v1;
	s1 =	smov.u32 s4  }
0x65: {  	_ =	sdelay $0x2  }
0x66: {  	v0 =	vsub.f32 $1.000000000e+00, v0;
	_ =	sdelay $0x1  }
0x67: {  	[tilespmem:s1+$0x19000] =	vst v0  }
0x68: {  	[hbm4b:s9+s21] =	stream.strided.scatter [tilespmem:s29], [sflag:$0x3], $0x5000, s24, s21, $0x38;
	[tilespmem:$0x1E000] =	vst v63  }
0x69: {  	_ = 	snop  }
0x6a: {  	[hbm4b:s10+s21] =	stream.strided.scatter [tilespmem:s30], [sflag:$0x3], $0x5000, s24, s21, $0x38;
	[tilespmem:$0x1E000] =	vst v63  }
0x6b: {  	_ =	swait.ge [sflag:s22], $0x80  }
0x6c: {  	s1 =	simm.s32 $0x9F;
	[sflag:s22] =	ssyncset.done $0x0  }
.LBB2_16:
0x6d: {  	p0 =	sne.s32 s1, $0x1;
	s1 =	sadd.s32 $0xFFFFFFFF, s1;
	[sflag:s22] =	ssyncadd.s32 $0xFFFFFF80  }
.Ltmp7:
0x6e: {  	(pc) =	sbr.rel @p0 .LBB2_16-.Ltmp7, $3  }
0x6f: {  	_ =	sdelay $0x1  }
0x70: {  	_ =	swait.ge [sflag:s22], $0x80  }
0x71: {  	[sflag:s22] =	ssyncset.done $0x0  }
0x72: {  	[sflag:s22] =	ssyncadd.s32 $0xFFFFFF80;
	s1 =	simm.s32 $0x0  }
0x73: {  	[tilespmem:s23], [sflag:$0x4] =	stream.linear.gather [hbm4b:s11+s1], $0x5000, $0x38;
	[tilespmem:$0x1E000] =	vst v63  }
0x74: {  	_ =	swait.ge [sflag:s20], $0x5000  }
0x75: {  	[sflag:s20] =	ssyncset.done $0x0  }
0x76: {  	[sflag:s20] =	ssyncadd.s32 $0xFFFFB000  }
0x77: {  	_ =	swait.ge [sflag:s31], $0x5000  }
0x78: {  	[sflag:s31] =	ssyncset.done $0x0  }
0x79: {  	[sflag:s31] =	ssyncadd.s32 $0xFFFFB000  }
0x7a: {  	_ =	swait.ge [sflag:s31], $0x5000  }
0x7b: {  	s2 =	simm.s32 $0x14000;
	[sflag:s31] =	ssyncset.done $0x0  }
0x7c: {  	s4 =	simm.s32 $0x5000;
	s1 =	simm.s32 $0x200;
	[sflag:s31] =	ssyncadd.s32 $0xFFFFB000  }
.LBB2_18:
0x7d: {  	[tilespmem:s2], [sflag:$0x1] =	stream.indirect.gather [hbm4b:s3+s21], $0x1, s4, s21, $0xb8;
	[tilespmem:$0x1E000] =	vst v63  }
0x7e: {  	s2 =	smov.u32 s1;
	p0 =	sne.s32 s1, $0x13E00  }
.Ltmp8:
0x7f: {  	s1 =	sadd.s32 $0x200, s1;
	(pc) =	sbr.rel @p0 .LBB2_18-.Ltmp8, $3  }
0x80: {  	_ =	sdelay $0x1  }
0x81: {  	s4 =	sshra.s32 s2, $0x2  }
0x82: {  	s2 =	sadd.s32 $0x14000, s4;
	s4 =	sadd.s32 $0x5000, s4  }
0x83: {  	[tilespmem:s2], [sflag:$0x1] =	stream.indirect.gather [hbm4b:s3+s21], $0x1, s4, s21, $0xb8;
	[tilespmem:$0x1E000] =	vst v63  }
0x84: {  	s1 =	simm.s32 $0x0  }
0x85: {  	v0 =	vld [tilespmem:s1+$0xA000]  }
0x86: {  	s2 =	simm.s32 $0x40  }
.LBB2_20:
0x87: {  	p0 =	sne.s32 s2, $0x13FC0  }
.Ltmp9:
0x88: {  	_ = 	snop;
	(pc) =	sbr.rel @p0 .LBB2_20-.Ltmp9, $4  }
0x89: {  	_ = 	snop  }
0x8a: {  	s4 =	sshra.s32 s2, $0x2;
	s2 =	sadd.s32 $0x40, s2;
	v1 =	vsub.f32 $1.000000000e+00, v0  }
0x8b: {  	v0 =	vld [tilespmem:s4+$0xA000]  }
0x8c: {  	[tilespmem:s1+$0xF000] =	vst v1;
	s1 =	smov.u32 s4  }
0x8d: {  	_ =	sdelay $0x2  }
0x8e: {  	v0 =	vsub.f32 $1.000000000e+00, v0;
	_ =	sdelay $0x1  }
0x8f: {  	[tilespmem:s1+$0xF000] =	vst v0  }
0x90: {  	[hbm4b:s12+s21] =	stream.strided.scatter [tilespmem:s25], [sflag:$0x2], $0x5000, s24, s21, $0x38;
	[tilespmem:$0x1E000] =	vst v63  }
0x91: {  	_ = 	snop  }
0x92: {  	[hbm4b:s13+s21] =	stream.strided.scatter [tilespmem:s26], [sflag:$0x2], $0x5000, s24, s21, $0x38;
	[tilespmem:$0x1E000] =	vst v63  }
0x93: {  	_ =	swait.ge [sflag:s22], $0x80  }
0x94: {  	s1 =	simm.s32 $0x9F;
	[sflag:s22] =	ssyncset.done $0x0  }
.LBB2_22:
0x95: {  	p0 =	sne.s32 s1, $0x1;
	s1 =	sadd.s32 $0xFFFFFFFF, s1;
	[sflag:s22] =	ssyncadd.s32 $0xFFFFFF80  }
.Ltmp10:
0x96: {  	(pc) =	sbr.rel @p0 .LBB2_22-.Ltmp10, $3  }
0x97: {  	_ =	sdelay $0x1  }
0x98: {  	_ =	swait.ge [sflag:s22], $0x80  }
0x99: {  	[sflag:s22] =	ssyncset.done $0x0  }
0x9a: {  	[sflag:s22] =	ssyncadd.s32 $0xFFFFFF80;
	s1 =	simm.s32 $0x0  }
0x9b: {  	[tilespmem:s1], [sflag:$0x4] =	stream.linear.gather [hbm4b:s14+s1], $0x5000, $0x38;
	[tilespmem:$0x1E000] =	vst v63  }
0x9c: {  	_ =	swait.ge [sflag:s20], $0x5000  }
0x9d: {  	[sflag:s20] =	ssyncset.done $0x0  }
0x9e: {  	[sflag:s20] =	ssyncadd.s32 $0xFFFFB000  }
0x9f: {  	_ =	swait.ge [sflag:s28], $0x5000  }
0xa0: {  	[sflag:s28] =	ssyncset.done $0x0  }
0xa1: {  	[sflag:s28] =	ssyncadd.s32 $0xFFFFB000  }
0xa2: {  	_ =	swait.ge [sflag:s28], $0x5000  }
0xa3: {  	s2 =	simm.s32 $0x0;
	[sflag:s28] =	ssyncset.done $0x0  }
0xa4: {  	s4 =	simm.s32 $0xA000;
	s1 =	simm.s32 $0x200;
	[sflag:s28] =	ssyncadd.s32 $0xFFFFB000  }
.LBB2_24:
0xa5: {  	[tilespmem:s4], [sflag:$0x1] =	stream.indirect.gather [hbm4b:s3+s21], $0x1, s2, s21, $0xb8;
	[tilespmem:$0x1E000] =	vst v63  }
0xa6: {  	s2 =	smov.u32 s1;
	p0 =	sne.s32 s1, $0x13E00  }
.Ltmp11:
0xa7: {  	s1 =	sadd.s32 $0x200, s1;
	(pc) =	sbr.rel @p0 .LBB2_24-.Ltmp11, $3  }
0xa8: {  	_ =	sdelay $0x1  }
0xa9: {  	s2 =	sshra.s32 s2, $0x2  }
0xaa: {  	s4 =	sadd.s32 $0xA000, s2  }
0xab: {  	[tilespmem:s4], [sflag:$0x1] =	stream.indirect.gather [hbm4b:s3+s21], $0x1, s2, s21, $0xb8;
	[tilespmem:$0x1E000] =	vst v63  }
0xac: {  	s1 =	simm.s32 $0x0  }
0xad: {  	v0 =	vld [tilespmem:s1+$0x14000]  }
0xae: {  	s2 =	simm.s32 $0x40  }
.LBB2_26:
0xaf: {  	p0 =	sne.s32 s2, $0x13FC0  }
.Ltmp12:
0xb0: {  	_ = 	snop;
	(pc) =	sbr.rel @p0 .LBB2_26-.Ltmp12, $4  }
0xb1: {  	_ = 	snop  }
0xb2: {  	s4 =	sshra.s32 s2, $0x2;
	s2 =	sadd.s32 $0x40, s2;
	v1 =	vsub.f32 $1.000000000e+00, v0  }
0xb3: {  	v0 =	vld [tilespmem:s4+$0x14000]  }
0xb4: {  	[tilespmem:s1+$0x19000] =	vst v1;
	s1 =	smov.u32 s4  }
0xb5: {  	_ =	sdelay $0x2  }
0xb6: {  	v0 =	vsub.f32 $1.000000000e+00, v0;
	_ =	sdelay $0x1  }
0xb7: {  	[tilespmem:s1+$0x19000] =	vst v0  }
0xb8: {  	[hbm4b:s15+s21] =	stream.strided.scatter [tilespmem:s29], [sflag:$0x3], $0x5000, s24, s21, $0x38;
	[tilespmem:$0x1E000] =	vst v63  }
0xb9: {  	s1 =	simm.s32 $0xA0  }
0xba: {  	[hbm4b:s16+s21] =	stream.strided.scatter [tilespmem:s30], [sflag:$0x3], $0x5000, s24, s21, $0x38;
	[tilespmem:$0x1E000] =	vst v63  }
.LBB2_28:
0xbb: {  	p0 =	sne.s32 s1, $0x1  }
.Ltmp13:
0xbc: {  	_ = 	snop;
	(pc) =	sbr.rel @p0 .LBB2_28-.Ltmp13, $4  }
0xbd: {  	_ = 	snop  }
0xbe: {  	_ =	swait.ge [sflag:s22], $0x80  }
0xbf: {  	[sflag:s22] =	ssyncset.done $0x0  }
0xc0: {  	s1 =	sadd.s32 $0xFFFFFFFF, s1;
	[sflag:s22] =	ssyncadd.s32 $0xFFFFFF80  }
0xc1: {  	s1 =	simm.s32 $0x0  }
0xc2: {  	v0 =	vld [tilespmem:s1+$0xA000]  }
0xc3: {  	s2 =	simm.s32 $0x40  }
.LBB2_30:
0xc4: {  	p0 =	sne.s32 s2, $0x13FC0  }
.Ltmp14:
0xc5: {  	_ = 	snop;
	(pc) =	sbr.rel @p0 .LBB2_30-.Ltmp14, $4  }
0xc6: {  	_ = 	snop  }
0xc7: {  	s4 =	sshra.s32 s2, $0x2;
	s2 =	sadd.s32 $0x40, s2;
	v1 =	vsub.f32 $1.000000000e+00, v0  }
0xc8: {  	v0 =	vld [tilespmem:s4+$0xA000]  }
0xc9: {  	[tilespmem:s1+$0xF000] =	vst v1;
	s1 =	smov.u32 s4  }
0xca: {  	_ =	sdelay $0x2  }
0xcb: {  	v0 =	vsub.f32 $1.000000000e+00, v0;
	_ =	sdelay $0x1  }
0xcc: {  	[tilespmem:s1+$0xF000] =	vst v0  }
0xcd: {  	[hbm4b:s17+s21] =	stream.strided.scatter [tilespmem:s25], [sflag:$0x2], $0x5000, s24, s21, $0x38;
	[tilespmem:$0x1E000] =	vst v63  }
0xce: {  	_ = 	snop  }
0xcf: {  	[hbm4b:s18+s21] =	stream.strided.scatter [tilespmem:s26], [sflag:$0x2], $0x5000, s24, s21, $0x38;
	[tilespmem:$0x1E000] =	vst v63  }
0xd0: {  	_ =	swait.ge [sflag:s31], $0x5000  }
0xd1: {  	[sflag:s31] =	ssyncset.done $0x0  }
0xd2: {  	[sflag:s31] =	ssyncadd.s32 $0xFFFFB000  }
0xd3: {  	_ =	swait.ge [sflag:s31], $0x5000  }
0xd4: {  	[sflag:s31] =	ssyncset.done $0x0  }
0xd5: {  	s0 =	sadd.s32 $0x1, s0;
	[sflag:s31] =	ssyncadd.s32 $0xFFFFB000  }
0xd6: {  	p0 =	sne.s32 s0, s19;
	_ =	swait.ge [sflag:s28], $0x5000  }
.Ltmp15:
0xd7: {  	[sflag:s28] =	ssyncset.done $0x0;
	(pc) =	sbr.rel @p0 .LBB2_1-.Ltmp15, $4  }
0xd8: {  	[sflag:s28] =	ssyncadd.s32 $0xFFFFB000  }
0xd9: {  	_ =	swait.ge [sflag:s28], $0x5000  }
0xda: {  	[sflag:s28] =	ssyncset.done $0x0  }
0xdb: {  	[sflag:s28] =	ssyncadd.s32 $0xFFFFB000  }
0xdc: {  	_ =	sfence.sel $0x180000  }
0xdd: {  	[bflag:$0x0] =	sbarrier.arrive $0xFFFF  }
0xde: {  	_ =	strace $0x9000004A  }
0xdf: {  	s0 =	stileid.u32;
	[bflag:$0x2] =	sbarrier.arrive $0xFFFF  }
0xe0: {  	p0 =	sne.s32 s0, $0x0;
	s0 =	rddreg [dreg:$0x2]  }
0xe1: {  	s0 =	sadd.s32 @!p0 $0x100000, s0  }
0xe2: {  	[sflag:s0] =	ssyncadd.tile.s32 @!p0 $0x1;
	_ =	shalt  }
.Lfunc_end2:
_tile_overlayer_lowered:
.L_overlay_start_2:
0xe3: {  	(tag) =	ssettag $0x2  }
0xe4: {  	s0 =	rddreg [dreg:$0x0];
	s2 =	stileid.u32  }
0xe5: {  	s1 =	rddreg [dreg:$0x1];
	p0 =	sne.s32 s2, $0x0  }
0xe6: {  	s3 =	rddreg [dreg:$0x2];
	[bflag:$0x3] =	sbarrier.arrive $0xFFFF;
	s2 =	simm.s32 @!p0 $0x1C04  }
0xe7: {  	[timem:s3], [sflag:s2] =	dma.local @!p0 [hbm:s0], s1  }
0xe8: {  	s0 =	simm.s32 @!p0 $0x4  }
0xe9: {  	_ =	swait.ge @!p0 [sflag:s0], s1  }
0xea: {  	s1 =	ssub.s32 @!p0 $0x0, s1;
	[sflag:s0] =	ssyncset.done @!p0 $0x0  }
0xeb: {  	[sflag:s0] =	ssyncadd.s32 @!p0 s1  }
0xec: {  	[bflag:$0x3] =	sbarrier.arrive $0xFFFF  }
0xed: {  	_ =	shalt  }

</sc_bundles>
